<compile_context>
chip_gen: v7x
topology: tpu7x:2x2x1
jax: 0.10.2.dev20260603
libtpu: 0.0.44.dev20260713+nightly
codegen_flags: <defaults>
</compile_context>

<pallas_src>
import functools

import jax
import jax.numpy as jnp
from jax import lax
from jax.experimental import pallas as pl
from jax.experimental.pallas import tpu as pltpu, tpu_sc as plsc

N_E = 1024
E_DIM = 64
MU = 0.25
BM = 1024

_SC_INFO = plsc.get_sparse_core_info()
_NC, _NS = _SC_INFO.num_cores, _SC_INFO.num_subcores
_NW = _NC * _NS
_CH = 256


def _vq_block(x_ref, emb_ref, z2_ref, e2_ref, idx_ref, loss_ref):
    z = x_ref[...]
    emb = emb_ref[...]
    dots = lax.dot_general(emb, z, (((1,), (1,)), ((), ())),
                           preferred_element_type=jnp.float32)
    d = (z2_ref[...] + e2_ref[...]) - 2.0 * dots
    dmin = jnp.min(d, axis=0, keepdims=True)
    rowf = jax.lax.broadcasted_iota(jnp.int32, (N_E, 1), 0).astype(jnp.float32)
    idxf = jnp.min(jnp.where(d == dmin, rowf, float(N_E)), axis=0, keepdims=True)
    idx_ref[...] = idxf.astype(jnp.int32).reshape(BM // 128, 128)
    loss_ref[...] = jnp.sum(dmin).reshape(1, 1, 1)


def _vq_assign(latent, emb, z2, e2, off, nblk):
    return pl.pallas_call(
        _vq_block,
        grid=(nblk,),
        compiler_params=pltpu.CompilerParams(
            dimension_semantics=("parallel",)),
        in_specs=[
            pl.BlockSpec((BM, E_DIM), lambda i: (i + off, 0)),
            pl.BlockSpec((N_E, E_DIM), lambda i: (0, 0)),
            pl.BlockSpec((1, BM), lambda i: (0, i + off)),
            pl.BlockSpec((N_E, 1), lambda i: (0, 0)),
        ],
        out_specs=[
            pl.BlockSpec((BM // 128, 128), lambda i: (i, 0)),
            pl.BlockSpec((1, 1, 1), lambda i: (i, 0, 0)),
        ],
        out_shape=[
            jax.ShapeDtypeStruct((nblk * BM // 128, 128), jnp.int32),
            jax.ShapeDtypeStruct((nblk, 1, 1), jnp.float32),
        ],
    )(latent, emb, z2, e2)


def _make_gather(b_total):
    b_per_w = b_total // _NW
    n_chunks = b_per_w // _CH
    mesh = plsc.VectorSubcoreMesh(core_axis_name="c", subcore_axis_name="s")

    @functools.partial(
        pl.kernel, mesh=mesh,
        out_type=jax.ShapeDtypeStruct((b_total, 128), jnp.float32),
        scratch_types=[
            pltpu.VMEM((b_per_w,), jnp.int32),
            pltpu.VMEM((_CH, 128), jnp.float32),
            pltpu.VMEM((_CH, 128), jnp.float32),
            pltpu.SemaphoreType.DMA,
            pltpu.SemaphoreType.DMA,
        ],
    )
    def gather(table_hbm, idx_hbm, out_hbm, idx_v, r0, r1, sg, so):
        rb = (r0, r1)
        wid = lax.axis_index("s") * _NC + lax.axis_index("c")
        base = wid * b_per_w
        pltpu.sync_copy(idx_hbm.at[pl.ds(base, b_per_w)], idx_v)
        hg = pltpu.async_copy(table_hbm.at[idx_v.at[pl.ds(0, _CH)]], rb[0], sg)
        hw = None
        for c in range(n_chunks):
            cur = c % 2
            hg.wait()
            if hw is not None:
                hw.wait()
            if c + 1 < n_chunks:
                hg = pltpu.async_copy(
                    table_hbm.at[idx_v.at[pl.ds((c + 1) * _CH, _CH)]],
                    rb[1 - cur], sg)
            hw = pltpu.async_copy(rb[cur],
                                  out_hbm.at[pl.ds(base + c * _CH, _CH)], so)
        hw.wait()

    return gather


_M_TOTAL = 256 * 576
_NBLK = _M_TOTAL // BM
_gather_kernel = _make_gather(_M_TOTAL)


def kernel(x, label, idx, emb):
    latent = x.reshape(-1, E_DIM)
    z2 = jnp.sum(latent ** 2, axis=1)[None, :]
    e2 = jnp.sum(emb ** 2, axis=1, keepdims=True)
    emb128 = jnp.pad(emb, ((0, 0), (0, 128 - E_DIM)))
    idxs2d, loss_blocks = _vq_assign(latent, emb, z2, e2, 0, _NBLK)
    idxs = idxs2d.reshape(-1)
    xq = _gather_kernel(emb128, idxs)[:, :E_DIM]
    n = _M_TOTAL * E_DIM
    loss = jnp.sum(loss_blocks) * ((1.0 + MU) / n)
    x_q_st = xq.reshape(x.shape)
    indices_out = idxs.reshape(x.shape[:-1])
    return (x_q_st, loss, indices_out)

# --- scband reference (transcript-rebuilt; emitter-appended) ---
"""Pipeline reference for scband-vector-quantizer-86620900426259 (READ-ONLY COPY).

The authoritative reference and input builder live on the scoring server;
editing this copy changes nothing except your own understanding.
"""

import jax, jax.numpy as jnp
import numpy as np

N_E = 1024
E_DIM = 64
MU = 0.25


def setup_inputs(seed: int = 0) -> dict:
    key = jax.random.key(seed)
    k1, k2, k3 = jax.random.split(key, 3)
    x = jax.random.normal(k1, (256, 576, E_DIM), dtype=jnp.float32)
    label = jax.random.randint(k2, (N_E,), 0, 10, dtype=jnp.int32)
    # embedding table initialized uniform(-1/n_e, 1/n_e) as in the torch module (kmeans_init=False)
    emb = jax.random.uniform(k3, (N_E, E_DIM), dtype=jnp.float32, minval=-1.0 / N_E, maxval=1.0 / N_E)
    idx = 1
    return {"x": x, "label": label, "idx": idx, "emb": emb}


def reference(x, label, idx, emb):
    # beta=0 -> diversity loss branch skipped; sk_epsilon=0 -> no sinkhorn, plain argmin
    latent = x.reshape(-1, E_DIM)
    d = (jnp.sum(latent ** 2, axis=1, keepdims=True)
         + jnp.sum(emb ** 2, axis=1)[None, :]
         - 2.0 * jnp.matmul(latent, emb.T))
    # idx != -1 -> hard argmin assignment
    indices = jnp.argmin(d, axis=-1)
    x_q = jnp.take(emb, indices, axis=0).reshape(x.shape)
    diversity_loss = jnp.asarray(0.0, dtype=jnp.float32)
    commitment_loss = jnp.mean((jax.lax.stop_gradient(x_q) - x) ** 2)
    codebook_loss = jnp.mean((x_q - jax.lax.stop_gradient(x)) ** 2)
    loss = codebook_loss + MU * commitment_loss + 0.0 * diversity_loss
    # straight-through estimator
    x_q_st = x + jax.lax.stop_gradient(x_q - x)
    indices_out = indices.reshape(x.shape[:-1])
    return (x_q_st, loss, indices_out)

if __name__ == "__main__":
    import jax
    _d = setup_inputs()
    print(jax.jit(kernel)(*tuple(_d.values())))

</pallas_src>

<mosaic_0001>
#map = affine_map<(d0, d1) -> (0, 0)>
#map1 = affine_map<(d0, d1) -> (0)>
module attributes {stable_mosaic.version = 14 : i64} {
  func.func @gather(%arg0: i32, %arg1: i32, %arg2: memref<1024x128xf32, #tpu.memory_space<hbm>>, %arg3: memref<147456xi32, #tpu.memory_space<hbm>>, %arg4: memref<147456x128xf32, #tpu.memory_space<hbm>>, %arg5: memref<4608xi32, #tpu.memory_space<vmem>>, %arg6: memref<256x128xf32, #tpu.memory_space<vmem>>, %arg7: memref<256x128xf32, #tpu.memory_space<vmem>>, %arg8: memref<!tpu.dma_semaphore, #tpu.memory_space<semaphore_mem>>, %arg9: memref<!tpu.dma_semaphore, #tpu.memory_space<semaphore_mem>>) attributes {dimension_semantics = [#tpu.dimension_semantics<core_parallel>, #tpu.dimension_semantics<subcore_parallel>], iteration_bounds = array<i64: 2, 16>, scalar_prefetch = 0 : i64, scratch_operands = 5 : i64, tpu.core_type = #tpu.core_type<sc_vector_subcore>, window_params = [{transform_indices = #map}, {transform_indices = #map1}, {transform_indices = #map}]} {
    %mul3A = arith.constant 2 : i32
    %mul3A_0 = arith.muli %arg1, %mul3A : i32
    %add3A = arith.addi %mul3A_0, %arg0 : i32
    %mul3A_1 = arith.constant 4608 : i32
    %mul3A_2 = arith.muli %add3A, %mul3A_1 : i32
    "tpu.region"() ({
      %run_scoped3A = tpu.sem_alloc : memref<!tpu.dma_semaphore, #tpu.memory_space<semaphore_mem>>
      %dma_start3A_361 = tpu.memref_slice %arg3[%mul3A_2] : memref<147456xi32, #tpu.memory_space<hbm>> -> memref<4608xi32, #tpu.memory_space<hbm>>
      %dma_start3A_362 = tpu.memref_slice %arg3[%mul3A_2] : memref<147456xi32, #tpu.memory_space<hbm>> -> memref<4608xi32, #tpu.memory_space<hbm>>
      tpu.enqueue_dma source(%dma_start3A_362 : memref<4608xi32, #tpu.memory_space<hbm>>) target(%arg5 : memref<4608xi32, #tpu.memory_space<vmem>>) target_semaphore(%run_scoped3A : memref<!tpu.dma_semaphore, #tpu.memory_space<semaphore_mem>>)
      %dma_wait3A_363 = tpu.memref_slice %arg3[%mul3A_2] : memref<147456xi32, #tpu.memory_space<hbm>> -> memref<4608xi32, #tpu.memory_space<hbm>>
      %dma_wait3A_364 = tpu.memref_slice %arg3[%mul3A_2] : memref<147456xi32, #tpu.memory_space<hbm>> -> memref<4608xi32, #tpu.memory_space<hbm>>
      tpu.wait_dma2 semaphore(%run_scoped3A : memref<!tpu.dma_semaphore, #tpu.memory_space<semaphore_mem>>) src(%dma_wait3A_364 : memref<4608xi32, #tpu.memory_space<hbm>>) dst(%arg5 : memref<4608xi32, #tpu.memory_space<vmem>>)
      tpu.yield
    }) : () -> ()
    %dma_start3A = arith.constant 0 : i32
    %dma_start3A_3 = tpu.memref_slice %arg5[%dma_start3A] : memref<4608xi32, #tpu.memory_space<vmem>> -> memref<256xi32, #tpu.memory_space<vmem>>
    %dma_start3A_4 = arith.constant 0 : i32
    %dma_start3A_5 = arith.constant 0 : i32
    %dma_start3A_6 = tpu.memref_slice %arg2[%dma_start3A_4, %dma_start3A_5] : memref<1024x128xf32, #tpu.memory_space<hbm>> -> memref<1024x128xf32, #tpu.memory_space<hbm>>
    tpu.enqueue_indirect_dma source(%dma_start3A_6 : memref<1024x128xf32, #tpu.memory_space<hbm>>) target(%arg6 : memref<256x128xf32, #tpu.memory_space<vmem>>) offsets(%dma_start3A_3 : memref<256xi32, #tpu.memory_space<vmem>>) semaphore(%arg8 : memref<!tpu.dma_semaphore, #tpu.memory_space<semaphore_mem>>)
    %dma_wait3A = arith.constant 0 : i32
    %dma_wait3A_7 = tpu.memref_slice %arg5[%dma_wait3A] : memref<4608xi32, #tpu.memory_space<vmem>> -> memref<256xi32, #tpu.memory_space<vmem>>
    %dma_wait3A_8 = arith.constant 0 : i32
    %dma_wait3A_9 = arith.constant 0 : i32
    %dma_wait3A_10 = tpu.memref_slice %arg2[%dma_wait3A_8, %dma_wait3A_9] : memref<1024x128xf32, #tpu.memory_space<hbm>> -> memref<1024x128xf32, #tpu.memory_space<hbm>>
    tpu.wait_indirect_dma semaphore(%arg8 : memref<!tpu.dma_semaphore, #tpu.memory_space<semaphore_mem>>) src(%dma_wait3A_10 : memref<1024x128xf32, #tpu.memory_space<hbm>>) dst(%arg6 : memref<256x128xf32, #tpu.memory_space<vmem>>)
    %dma_start3A_11 = arith.constant 256 : i32
    %dma_start3A_12 = tpu.memref_slice %arg5[%dma_start3A_11] : memref<4608xi32, #tpu.memory_space<vmem>> -> memref<256xi32, #tpu.memory_space<vmem>>
    %dma_start3A_13 = arith.constant 0 : i32
    %dma_start3A_14 = arith.constant 0 : i32
    %dma_start3A_15 = tpu.memref_slice %arg2[%dma_start3A_13, %dma_start3A_14] : memref<1024x128xf32, #tpu.memory_space<hbm>> -> memref<1024x128xf32, #tpu.memory_space<hbm>>
    tpu.enqueue_indirect_dma source(%dma_start3A_15 : memref<1024x128xf32, #tpu.memory_space<hbm>>) target(%arg7 : memref<256x128xf32, #tpu.memory_space<vmem>>) offsets(%dma_start3A_12 : memref<256xi32, #tpu.memory_space<vmem>>) semaphore(%arg8 : memref<!tpu.dma_semaphore, #tpu.memory_space<semaphore_mem>>)
    %add3A_16 = arith.constant 0 : i32
    %add3A_17 = arith.addi %mul3A_2, %add3A_16 : i32
    %dma_start3A_18 = arith.constant 0 : i32
    %dma_start3A_19 = tpu.memref_slice %arg4[%add3A_17, %dma_start3A_18] : memref<147456x128xf32, #tpu.memory_space<hbm>> -> memref<256x128xf32, #tpu.memory_space<hbm>>
    %dma_start3A_20 = arith.constant 0 : i32
    %dma_start3A_21 = tpu.memref_slice %arg4[%add3A_17, %dma_start3A_20] : memref<147456x128xf32, #tpu.memory_space<hbm>> -> memref<256x128xf32, #tpu.memory_space<hbm>>
    tpu.enqueue_dma source(%arg6 : memref<256x128xf32, #tpu.memory_space<vmem>>) target(%dma_start3A_21 : memref<256x128xf32, #tpu.memory_space<hbm>>) target_semaphore(%arg9 : memref<!tpu.dma_semaphore, #tpu.memory_space<semaphore_mem>>)
    %dma_wait3A_22 = arith.constant 256 : i32
    %dma_wait3A_23 = tpu.memref_slice %arg5[%dma_wait3A_22] : memref<4608xi32, #tpu.memory_space<vmem>> -> memref<256xi32, #tpu.memory_space<vmem>>
    %dma_wait3A_24 = arith.constant 0 : i32
    %dma_wait3A_25 = arith.constant 0 : i32
    %dma_wait3A_26 = tpu.memref_slice %arg2[%dma_wait3A_24, %dma_wait3A_25] : memref<1024x128xf32, #tpu.memory_space<hbm>> -> memref<1024x128xf32, #tpu.memory_space<hbm>>
    tpu.wait_indirect_dma semaphore(%arg8 : memref<!tpu.dma_semaphore, #tpu.memory_space<semaphore_mem>>) src(%dma_wait3A_26 : memref<1024x128xf32, #tpu.memory_space<hbm>>) dst(%arg7 : memref<256x128xf32, #tpu.memory_space<vmem>>)
    %dma_wait3A_27 = arith.constant 0 : i32
    %dma_wait3A_28 = tpu.memref_slice %arg4[%add3A_17, %dma_wait3A_27] : memref<147456x128xf32, #tpu.memory_space<hbm>> -> memref<256x128xf32, #tpu.memory_space<hbm>>
    %dma_wait3A_29 = arith.constant 0 : i32
    %dma_wait3A_30 = tpu.memref_slice %arg4[%add3A_17, %dma_wait3A_29] : memref<147456x128xf32, #tpu.memory_space<hbm>> -> memref<256x128xf32, #tpu.memory_space<hbm>>
    tpu.wait_dma2 semaphore(%arg9 : memref<!tpu.dma_semaphore, #tpu.memory_space<semaphore_mem>>) src(%arg6 : memref<256x128xf32, #tpu.memory_space<vmem>>) dst(%dma_wait3A_30 : memref<256x128xf32, #tpu.memory_space<hbm>>)
    %dma_start3A_31 = arith.constant 512 : i32
    %dma_start3A_32 = tpu.memref_slice %arg5[%dma_start3A_31] : memref<4608xi32, #tpu.memory_space<vmem>> -> memref<256xi32, #tpu.memory_space<vmem>>
    %dma_start3A_33 = arith.constant 0 : i32
    %dma_start3A_34 = arith.constant 0 : i32
    %dma_start3A_35 = tpu.memref_slice %arg2[%dma_start3A_33, %dma_start3A_34] : memref<1024x128xf32, #tpu.memory_space<hbm>> -> memref<1024x128xf32, #tpu.memory_space<hbm>>
    tpu.enqueue_indirect_dma source(%dma_start3A_35 : memref<1024x128xf32, #tpu.memory_space<hbm>>) target(%arg6 : memref<256x128xf32, #tpu.memory_space<vmem>>) offsets(%dma_start3A_32 : memref<256xi32, #tpu.memory_space<vmem>>) semaphore(%arg8 : memref<!tpu.dma_semaphore, #tpu.memory_space<semaphore_mem>>)
    %add3A_36 = arith.constant 256 : i32
    %add3A_37 = arith.addi %mul3A_2, %add3A_36 : i32
    %dma_start3A_38 = arith.constant 0 : i32
    %dma_start3A_39 = tpu.memref_slice %arg4[%add3A_37, %dma_start3A_38] : memref<147456x128xf32, #tpu.memory_space<hbm>> -> memref<256x128xf32, #tpu.memory_space<hbm>>
    %dma_start3A_40 = arith.constant 0 : i32
    %dma_start3A_41 = tpu.memref_slice %arg4[%add3A_37, %dma_start3A_40] : memref<147456x128xf32, #tpu.memory_space<hbm>> -> memref<256x128xf32, #tpu.memory_space<hbm>>
    tpu.enqueue_dma source(%arg7 : memref<256x128xf32, #tpu.memory_space<vmem>>) target(%dma_start3A_41 : memref<256x128xf32, #tpu.memory_space<hbm>>) target_semaphore(%arg9 : memref<!tpu.dma_semaphore, #tpu.memory_space<semaphore_mem>>)
    %dma_wait3A_42 = arith.constant 512 : i32
    %dma_wait3A_43 = tpu.memref_slice %arg5[%dma_wait3A_42] : memref<4608xi32, #tpu.memory_space<vmem>> -> memref<256xi32, #tpu.memory_space<vmem>>
    %dma_wait3A_44 = arith.constant 0 : i32
    %dma_wait3A_45 = arith.constant 0 : i32
    %dma_wait3A_46 = tpu.memref_slice %arg2[%dma_wait3A_44, %dma_wait3A_45] : memref<1024x128xf32, #tpu.memory_space<hbm>> -> memref<1024x128xf32, #tpu.memory_space<hbm>>
    tpu.wait_indirect_dma semaphore(%arg8 : memref<!tpu.dma_semaphore, #tpu.memory_space<semaphore_mem>>) src(%dma_wait3A_46 : memref<1024x128xf32, #tpu.memory_space<hbm>>) dst(%arg6 : memref<256x128xf32, #tpu.memory_space<vmem>>)
    %dma_wait3A_47 = arith.constant 0 : i32
    %dma_wait3A_48 = tpu.memref_slice %arg4[%add3A_37, %dma_wait3A_47] : memref<147456x128xf32, #tpu.memory_space<hbm>> -> memref<256x128xf32, #tpu.memory_space<hbm>>
    %dma_wait3A_49 = arith.constant 0 : i32
    %dma_wait3A_50 = tpu.memref_slice %arg4[%add3A_37, %dma_wait3A_49] : memref<147456x128xf32, #tpu.memory_space<hbm>> -> memref<256x128xf32, #tpu.memory_space<hbm>>
    tpu.wait_dma2 semaphore(%arg9 : memref<!tpu.dma_semaphore, #tpu.memory_space<semaphore_mem>>) src(%arg7 : memref<256x128xf32, #tpu.memory_space<vmem>>) dst(%dma_wait3A_50 : memref<256x128xf32, #tpu.memory_space<hbm>>)
    %dma_start3A_51 = arith.constant 768 : i32
    %dma_start3A_52 = tpu.memref_slice %arg5[%dma_start3A_51] : memref<4608xi32, #tpu.memory_space<vmem>> -> memref<256xi32, #tpu.memory_space<vmem>>
    %dma_start3A_53 = arith.constant 0 : i32
    %dma_start3A_54 = arith.constant 0 : i32
    %dma_start3A_55 = tpu.memref_slice %arg2[%dma_start3A_53, %dma_start3A_54] : memref<1024x128xf32, #tpu.memory_space<hbm>> -> memref<1024x128xf32, #tpu.memory_space<hbm>>
    tpu.enqueue_indirect_dma source(%dma_start3A_55 : memref<1024x128xf32, #tpu.memory_space<hbm>>) target(%arg7 : memref<256x128xf32, #tpu.memory_space<vmem>>) offsets(%dma_start3A_52 : memref<256xi32, #tpu.memory_space<vmem>>) semaphore(%arg8 : memref<!tpu.dma_semaphore, #tpu.memory_space<semaphore_mem>>)
    %add3A_56 = arith.constant 512 : i32
    %add3A_57 = arith.addi %mul3A_2, %add3A_56 : i32
    %dma_start3A_58 = arith.constant 0 : i32
    %dma_start3A_59 = tpu.memref_slice %arg4[%add3A_57, %dma_start3A_58] : memref<147456x128xf32, #tpu.memory_space<hbm>> -> memref<256x128xf32, #tpu.memory_space<hbm>>
    %dma_start3A_60 = arith.constant 0 : i32
    %dma_start3A_61 = tpu.memref_slice %arg4[%add3A_57, %dma_start3A_60] : memref<147456x128xf32, #tpu.memory_space<hbm>> -> memref<256x128xf32, #tpu.memory_space<hbm>>
    tpu.enqueue_dma source(%arg6 : memref<256x128xf32, #tpu.memory_space<vmem>>) target(%dma_start3A_61 : memref<256x128xf32, #tpu.memory_space<hbm>>) target_semaphore(%arg9 : memref<!tpu.dma_semaphore, #tpu.memory_space<semaphore_mem>>)
    %dma_wait3A_62 = arith.constant 768 : i32
    %dma_wait3A_63 = tpu.memref_slice %arg5[%dma_wait3A_62] : memref<4608xi32, #tpu.memory_space<vmem>> -> memref<256xi32, #tpu.memory_space<vmem>>
    %dma_wait3A_64 = arith.constant 0 : i32
    %dma_wait3A_65 = arith.constant 0 : i32
    %dma_wait3A_66 = tpu.memref_slice %arg2[%dma_wait3A_64, %dma_wait3A_65] : memref<1024x128xf32, #tpu.memory_space<hbm>> -> memref<1024x128xf32, #tpu.memory_space<hbm>>
    tpu.wait_indirect_dma semaphore(%arg8 : memref<!tpu.dma_semaphore, #tpu.memory_space<semaphore_mem>>) src(%dma_wait3A_66 : memref<1024x128xf32, #tpu.memory_space<hbm>>) dst(%arg7 : memref<256x128xf32, #tpu.memory_space<vmem>>)
    %dma_wait3A_67 = arith.constant 0 : i32
    %dma_wait3A_68 = tpu.memref_slice %arg4[%add3A_57, %dma_wait3A_67] : memref<147456x128xf32, #tpu.memory_space<hbm>> -> memref<256x128xf32, #tpu.memory_space<hbm>>
    %dma_wait3A_69 = arith.constant 0 : i32
    %dma_wait3A_70 = tpu.memref_slice %arg4[%add3A_57, %dma_wait3A_69] : memref<147456x128xf32, #tpu.memory_space<hbm>> -> memref<256x128xf32, #tpu.memory_space<hbm>>
    tpu.wait_dma2 semaphore(%arg9 : memref<!tpu.dma_semaphore, #tpu.memory_space<semaphore_mem>>) src(%arg6 : memref<256x128xf32, #tpu.memory_space<vmem>>) dst(%dma_wait3A_70 : memref<256x128xf32, #tpu.memory_space<hbm>>)
    %dma_start3A_71 = arith.constant 1024 : i32
    %dma_start3A_72 = tpu.memref_slice %arg5[%dma_start3A_71] : memref<4608xi32, #tpu.memory_space<vmem>> -> memref<256xi32, #tpu.memory_space<vmem>>
    %dma_start3A_73 = arith.constant 0 : i32
    %dma_start3A_74 = arith.constant 0 : i32
    %dma_start3A_75 = tpu.memref_slice %arg2[%dma_start3A_73, %dma_start3A_74] : memref<1024x128xf32, #tpu.memory_space<hbm>> -> memref<1024x128xf32, #tpu.memory_space<hbm>>
    tpu.enqueue_indirect_dma source(%dma_start3A_75 : memref<1024x128xf32, #tpu.memory_space<hbm>>) target(%arg6 : memref<256x128xf32, #tpu.memory_space<vmem>>) offsets(%dma_start3A_72 : memref<256xi32, #tpu.memory_space<vmem>>) semaphore(%arg8 : memref<!tpu.dma_semaphore, #tpu.memory_space<semaphore_mem>>)
    %add3A_76 = arith.constant 768 : i32
    %add3A_77 = arith.addi %mul3A_2, %add3A_76 : i32
    %dma_start3A_78 = arith.constant 0 : i32
    %dma_start3A_79 = tpu.memref_slice %arg4[%add3A_77, %dma_start3A_78] : memref<147456x128xf32, #tpu.memory_space<hbm>> -> memref<256x128xf32, #tpu.memory_space<hbm>>
    %dma_start3A_80 = arith.constant 0 : i32
    %dma_start3A_81 = tpu.memref_slice %arg4[%add3A_77, %dma_start3A_80] : memref<147456x128xf32, #tpu.memory_space<hbm>> -> memref<256x128xf32, #tpu.memory_space<hbm>>
    tpu.enqueue_dma source(%arg7 : memref<256x128xf32, #tpu.memory_space<vmem>>) target(%dma_start3A_81 : memref<256x128xf32, #tpu.memory_space<hbm>>) target_semaphore(%arg9 : memref<!tpu.dma_semaphore, #tpu.memory_space<semaphore_mem>>)
    %dma_wait3A_82 = arith.constant 1024 : i32
    %dma_wait3A_83 = tpu.memref_slice %arg5[%dma_wait3A_82] : memref<4608xi32, #tpu.memory_space<vmem>> -> memref<256xi32, #tpu.memory_space<vmem>>
    %dma_wait3A_84 = arith.constant 0 : i32
    %dma_wait3A_85 = arith.constant 0 : i32
    %dma_wait3A_86 = tpu.memref_slice %arg2[%dma_wait3A_84, %dma_wait3A_85] : memref<1024x128xf32, #tpu.memory_space<hbm>> -> memref<1024x128xf32, #tpu.memory_space<hbm>>
    tpu.wait_indirect_dma semaphore(%arg8 : memref<!tpu.dma_semaphore, #tpu.memory_space<semaphore_mem>>) src(%dma_wait3A_86 : memref<1024x128xf32, #tpu.memory_space<hbm>>) dst(%arg6 : memref<256x128xf32, #tpu.memory_space<vmem>>)
    %dma_wait3A_87 = arith.constant 0 : i32
    %dma_wait3A_88 = tpu.memref_slice %arg4[%add3A_77, %dma_wait3A_87] : memref<147456x128xf32, #tpu.memory_space<hbm>> -> memref<256x128xf32, #tpu.memory_space<hbm>>
    %dma_wait3A_89 = arith.constant 0 : i32
    %dma_wait3A_90 = tpu.memref_slice %arg4[%add3A_77, %dma_wait3A_89] : memref<147456x128xf32, #tpu.memory_space<hbm>> -> memref<256x128xf32, #tpu.memory_space<hbm>>
    tpu.wait_dma2 semaphore(%arg9 : memref<!tpu.dma_semaphore, #tpu.memory_space<semaphore_mem>>) src(%arg7 : memref<256x128xf32, #tpu.memory_space<vmem>>) dst(%dma_wait3A_90 : memref<256x128xf32, #tpu.memory_space<hbm>>)
    %dma_start3A_91 = arith.constant 1280 : i32
    %dma_start3A_92 = tpu.memref_slice %arg5[%dma_start3A_91] : memref<4608xi32, #tpu.memory_space<vmem>> -> memref<256xi32, #tpu.memory_space<vmem>>
    %dma_start3A_93 = arith.constant 0 : i32
    %dma_start3A_94 = arith.constant 0 : i32
    %dma_start3A_95 = tpu.memref_slice %arg2[%dma_start3A_93, %dma_start3A_94] : memref<1024x128xf32, #tpu.memory_space<hbm>> -> memref<1024x128xf32, #tpu.memory_space<hbm>>
    tpu.enqueue_indirect_dma source(%dma_start3A_95 : memref<1024x128xf32, #tpu.memory_space<hbm>>) target(%arg7 : memref<256x128xf32, #tpu.memory_space<vmem>>) offsets(%dma_start3A_92 : memref<256xi32, #tpu.memory_space<vmem>>) semaphore(%arg8 : memref<!tpu.dma_semaphore, #tpu.memory_space<semaphore_mem>>)
    %add3A_96 = arith.constant 1024 : i32
    %add3A_97 = arith.addi %mul3A_2, %add3A_96 : i32
    %dma_start3A_98 = arith.constant 0 : i32
    %dma_start3A_99 = tpu.memref_slice %arg4[%add3A_97, %dma_start3A_98] : memref<147456x128xf32, #tpu.memory_space<hbm>> -> memref<256x128xf32, #tpu.memory_space<hbm>>
    %dma_start3A_100 = arith.constant 0 : i32
    %dma_start3A_101 = tpu.memref_slice %arg4[%add3A_97, %dma_start3A_100] : memref<147456x128xf32, #tpu.memory_space<hbm>> -> memref<256x128xf32, #tpu.memory_space<hbm>>
    tpu.enqueue_dma source(%arg6 : memref<256x128xf32, #tpu.memory_space<vmem>>) target(%dma_start3A_101 : memref<256x128xf32, #tpu.memory_space<hbm>>) target_semaphore(%arg9 : memref<!tpu.dma_semaphore, #tpu.memory_space<semaphore_mem>>)
    %dma_wait3A_102 = arith.constant 1280 : i32
    %dma_wait3A_103 = tpu.memref_slice %arg5[%dma_wait3A_102] : memref<4608xi32, #tpu.memory_space<vmem>> -> memref<256xi32, #tpu.memory_space<vmem>>
    %dma_wait3A_104 = arith.constant 0 : i32
    %dma_wait3A_105 = arith.constant 0 : i32
    %dma_wait3A_106 = tpu.memref_slice %arg2[%dma_wait3A_104, %dma_wait3A_105] : memref<1024x128xf32, #tpu.memory_space<hbm>> -> memref<1024x128xf32, #tpu.memory_space<hbm>>
    tpu.wait_indirect_dma semaphore(%arg8 : memref<!tpu.dma_semaphore, #tpu.memory_space<semaphore_mem>>) src(%dma_wait3A_106 : memref<1024x128xf32, #tpu.memory_space<hbm>>) dst(%arg7 : memref<256x128xf32, #tpu.memory_space<vmem>>)
    %dma_wait3A_107 = arith.constant 0 : i32
    %dma_wait3A_108 = tpu.memref_slice %arg4[%add3A_97, %dma_wait3A_107] : memref<147456x128xf32, #tpu.memory_space<hbm>> -> memref<256x128xf32, #tpu.memory_space<hbm>>
    %dma_wait3A_109 = arith.constant 0 : i32
    %dma_wait3A_110 = tpu.memref_slice %arg4[%add3A_97, %dma_wait3A_109] : memref<147456x128xf32, #tpu.memory_space<hbm>> -> memref<256x128xf32, #tpu.memory_space<hbm>>
    tpu.wait_dma2 semaphore(%arg9 : memref<!tpu.dma_semaphore, #tpu.memory_space<semaphore_mem>>) src(%arg6 : memref<256x128xf32, #tpu.memory_space<vmem>>) dst(%dma_wait3A_110 : memref<256x128xf32, #tpu.memory_space<hbm>>)
    %dma_start3A_111 = arith.constant 1536 : i32
    %dma_start3A_112 = tpu.memref_slice %arg5[%dma_start3A_111] : memref<4608xi32, #tpu.memory_space<vmem>> -> memref<256xi32, #tpu.memory_space<vmem>>
    %dma_start3A_113 = arith.constant 0 : i32
    %dma_start3A_114 = arith.constant 0 : i32
    %dma_start3A_115 = tpu.memref_slice %arg2[%dma_start3A_113, %dma_start3A_114] : memref<1024x128xf32, #tpu.memory_space<hbm>> -> memref<1024x128xf32, #tpu.memory_space<hbm>>
    tpu.enqueue_indirect_dma source(%dma_start3A_115 : memref<1024x128xf32, #tpu.memory_space<hbm>>) target(%arg6 : memref<256x128xf32, #tpu.memory_space<vmem>>) offsets(%dma_start3A_112 : memref<256xi32, #tpu.memory_space<vmem>>) semaphore(%arg8 : memref<!tpu.dma_semaphore, #tpu.memory_space<semaphore_mem>>)
    %add3A_116 = arith.constant 1280 : i32
    %add3A_117 = arith.addi %mul3A_2, %add3A_116 : i32
    %dma_start3A_118 = arith.constant 0 : i32
    %dma_start3A_119 = tpu.memref_slice %arg4[%add3A_117, %dma_start3A_118] : memref<147456x128xf32, #tpu.memory_space<hbm>> -> memref<256x128xf32, #tpu.memory_space<hbm>>
    %dma_start3A_120 = arith.constant 0 : i32
    %dma_start3A_121 = tpu.memref_slice %arg4[%add3A_117, %dma_start3A_120] : memref<147456x128xf32, #tpu.memory_space<hbm>> -> memref<256x128xf32, #tpu.memory_space<hbm>>
    tpu.enqueue_dma source(%arg7 : memref<256x128xf32, #tpu.memory_space<vmem>>) target(%dma_start3A_121 : memref<256x128xf32, #tpu.memory_space<hbm>>) target_semaphore(%arg9 : memref<!tpu.dma_semaphore, #tpu.memory_space<semaphore_mem>>)
    %dma_wait3A_122 = arith.constant 1536 : i32
    %dma_wait3A_123 = tpu.memref_slice %arg5[%dma_wait3A_122] : memref<4608xi32, #tpu.memory_space<vmem>> -> memref<256xi32, #tpu.memory_space<vmem>>
    %dma_wait3A_124 = arith.constant 0 : i32
    %dma_wait3A_125 = arith.constant 0 : i32
    %dma_wait3A_126 = tpu.memref_slice %arg2[%dma_wait3A_124, %dma_wait3A_125] : memref<1024x128xf32, #tpu.memory_space<hbm>> -> memref<1024x128xf32, #tpu.memory_space<hbm>>
    tpu.wait_indirect_dma semaphore(%arg8 : memref<!tpu.dma_semaphore, #tpu.memory_space<semaphore_mem>>) src(%dma_wait3A_126 : memref<1024x128xf32, #tpu.memory_space<hbm>>) dst(%arg6 : memref<256x128xf32, #tpu.memory_space<vmem>>)
    %dma_wait3A_127 = arith.constant 0 : i32
    %dma_wait3A_128 = tpu.memref_slice %arg4[%add3A_117, %dma_wait3A_127] : memref<147456x128xf32, #tpu.memory_space<hbm>> -> memref<256x128xf32, #tpu.memory_space<hbm>>
    %dma_wait3A_129 = arith.constant 0 : i32
    %dma_wait3A_130 = tpu.memref_slice %arg4[%add3A_117, %dma_wait3A_129] : memref<147456x128xf32, #tpu.memory_space<hbm>> -> memref<256x128xf32, #tpu.memory_space<hbm>>
    tpu.wait_dma2 semaphore(%arg9 : memref<!tpu.dma_semaphore, #tpu.memory_space<semaphore_mem>>) src(%arg7 : memref<256x128xf32, #tpu.memory_space<vmem>>) dst(%dma_wait3A_130 : memref<256x128xf32, #tpu.memory_space<hbm>>)
    %dma_start3A_131 = arith.constant 1792 : i32
    %dma_start3A_132 = tpu.memref_slice %arg5[%dma_start3A_131] : memref<4608xi32, #tpu.memory_space<vmem>> -> memref<256xi32, #tpu.memory_space<vmem>>
    %dma_start3A_133 = arith.constant 0 : i32
    %dma_start3A_134 = arith.constant 0 : i32
    %dma_start3A_135 = tpu.memref_slice %arg2[%dma_start3A_133, %dma_start3A_134] : memref<1024x128xf32, #tpu.memory_space<hbm>> -> memref<1024x128xf32, #tpu.memory_space<hbm>>
    tpu.enqueue_indirect_dma source(%dma_start3A_135 : memref<1024x128xf32, #tpu.memory_space<hbm>>) target(%arg7 : memref<256x128xf32, #tpu.memory_space<vmem>>) offsets(%dma_start3A_132 : memref<256xi32, #tpu.memory_space<vmem>>) semaphore(%arg8 : memref<!tpu.dma_semaphore, #tpu.memory_space<semaphore_mem>>)
    %add3A_136 = arith.constant 1536 : i32
    %add3A_137 = arith.addi %mul3A_2, %add3A_136 : i32
    %dma_start3A_138 = arith.constant 0 : i32
    %dma_start3A_139 = tpu.memref_slice %arg4[%add3A_137, %dma_start3A_138] : memref<147456x128xf32, #tpu.memory_space<hbm>> -> memref<256x128xf32, #tpu.memory_space<hbm>>
    %dma_start3A_140 = arith.constant 0 : i32
    %dma_start3A_141 = tpu.memref_slice %arg4[%add3A_137, %dma_start3A_140] : memref<147456x128xf32, #tpu.memory_space<hbm>> -> memref<256x128xf32, #tpu.memory_space<hbm>>
    tpu.enqueue_dma source(%arg6 : memref<256x128xf32, #tpu.memory_space<vmem>>) target(%dma_start3A_141 : memref<256x128xf32, #tpu.memory_space<hbm>>) target_semaphore(%arg9 : memref<!tpu.dma_semaphore, #tpu.memory_space<semaphore_mem>>)
    %dma_wait3A_142 = arith.constant 1792 : i32
    %dma_wait3A_143 = tpu.memref_slice %arg5[%dma_wait3A_142] : memref<4608xi32, #tpu.memory_space<vmem>> -> memref<256xi32, #tpu.memory_space<vmem>>
    %dma_wait3A_144 = arith.constant 0 : i32
    %dma_wait3A_145 = arith.constant 0 : i32
    %dma_wait3A_146 = tpu.memref_slice %arg2[%dma_wait3A_144, %dma_wait3A_145] : memref<1024x128xf32, #tpu.memory_space<hbm>> -> memref<1024x128xf32, #tpu.memory_space<hbm>>
    tpu.wait_indirect_dma semaphore(%arg8 : memref<!tpu.dma_semaphore, #tpu.memory_space<semaphore_mem>>) src(%dma_wait3A_146 : memref<1024x128xf32, #tpu.memory_space<hbm>>) dst(%arg7 : memref<256x128xf32, #tpu.memory_space<vmem>>)
    %dma_wait3A_147 = arith.constant 0 : i32
    %dma_wait3A_148 = tpu.memref_slice %arg4[%add3A_137, %dma_wait3A_147] : memref<147456x128xf32, #tpu.memory_space<hbm>> -> memref<256x128xf32, #tpu.memory_space<hbm>>
    %dma_wait3A_149 = arith.constant 0 : i32
    %dma_wait3A_150 = tpu.memref_slice %arg4[%add3A_137, %dma_wait3A_149] : memref<147456x128xf32, #tpu.memory_space<hbm>> -> memref<256x128xf32, #tpu.memory_space<hbm>>
    tpu.wait_dma2 semaphore(%arg9 : memref<!tpu.dma_semaphore, #tpu.memory_space<semaphore_mem>>) src(%arg6 : memref<256x128xf32, #tpu.memory_space<vmem>>) dst(%dma_wait3A_150 : memref<256x128xf32, #tpu.memory_space<hbm>>)
    %dma_start3A_151 = arith.constant 2048 : i32
    %dma_start3A_152 = tpu.memref_slice %arg5[%dma_start3A_151] : memref<4608xi32, #tpu.memory_space<vmem>> -> memref<256xi32, #tpu.memory_space<vmem>>
    %dma_start3A_153 = arith.constant 0 : i32
    %dma_start3A_154 = arith.constant 0 : i32
    %dma_start3A_155 = tpu.memref_slice %arg2[%dma_start3A_153, %dma_start3A_154] : memref<1024x128xf32, #tpu.memory_space<hbm>> -> memref<1024x128xf32, #tpu.memory_space<hbm>>
    tpu.enqueue_indirect_dma source(%dma_start3A_155 : memref<1024x128xf32, #tpu.memory_space<hbm>>) target(%arg6 : memref<256x128xf32, #tpu.memory_space<vmem>>) offsets(%dma_start3A_152 : memref<256xi32, #tpu.memory_space<vmem>>) semaphore(%arg8 : memref<!tpu.dma_semaphore, #tpu.memory_space<semaphore_mem>>)
    %add3A_156 = arith.constant 1792 : i32
    %add3A_157 = arith.addi %mul3A_2, %add3A_156 : i32
    %dma_start3A_158 = arith.constant 0 : i32
    %dma_start3A_159 = tpu.memref_slice %arg4[%add3A_157, %dma_start3A_158] : memref<147456x128xf32, #tpu.memory_space<hbm>> -> memref<256x128xf32, #tpu.memory_space<hbm>>
    %dma_start3A_160 = arith.constant 0 : i32
    %dma_start3A_161 = tpu.memref_slice %arg4[%add3A_157, %dma_start3A_160] : memref<147456x128xf32, #tpu.memory_space<hbm>> -> memref<256x128xf32, #tpu.memory_space<hbm>>
    tpu.enqueue_dma source(%arg7 : memref<256x128xf32, #tpu.memory_space<vmem>>) target(%dma_start3A_161 : memref<256x128xf32, #tpu.memory_space<hbm>>) target_semaphore(%arg9 : memref<!tpu.dma_semaphore, #tpu.memory_space<semaphore_mem>>)
    %dma_wait3A_162 = arith.constant 2048 : i32
    %dma_wait3A_163 = tpu.memref_slice %arg5[%dma_wait3A_162] : memref<4608xi32, #tpu.memory_space<vmem>> -> memref<256xi32, #tpu.memory_space<vmem>>
    %dma_wait3A_164 = arith.constant 0 : i32
    %dma_wait3A_165 = arith.constant 0 : i32
    %dma_wait3A_166 = tpu.memref_slice %arg2[%dma_wait3A_164, %dma_wait3A_165] : memref<1024x128xf32, #tpu.memory_space<hbm>> -> memref<1024x128xf32, #tpu.memory_space<hbm>>
    tpu.wait_indirect_dma semaphore(%arg8 : memref<!tpu.dma_semaphore, #tpu.memory_space<semaphore_mem>>) src(%dma_wait3A_166 : memref<1024x128xf32, #tpu.memory_space<hbm>>) dst(%arg6 : memref<256x128xf32, #tpu.memory_space<vmem>>)
    %dma_wait3A_167 = arith.constant 0 : i32
    %dma_wait3A_168 = tpu.memref_slice %arg4[%add3A_157, %dma_wait3A_167] : memref<147456x128xf32, #tpu.memory_space<hbm>> -> memref<256x128xf32, #tpu.memory_space<hbm>>
    %dma_wait3A_169 = arith.constant 0 : i32
    %dma_wait3A_170 = tpu.memref_slice %arg4[%add3A_157, %dma_wait3A_169] : memref<147456x128xf32, #tpu.memory_space<hbm>> -> memref<256x128xf32, #tpu.memory_space<hbm>>
    tpu.wait_dma2 semaphore(%arg9 : memref<!tpu.dma_semaphore, #tpu.memory_space<semaphore_mem>>) src(%arg7 : memref<256x128xf32, #tpu.memory_space<vmem>>) dst(%dma_wait3A_170 : memref<256x128xf32, #tpu.memory_space<hbm>>)
    %dma_start3A_171 = arith.constant 2304 : i32
    %dma_start3A_172 = tpu.memref_slice %arg5[%dma_start3A_171] : memref<4608xi32, #tpu.memory_space<vmem>> -> memref<256xi32, #tpu.memory_space<vmem>>
    %dma_start3A_173 = arith.constant 0 : i32
    %dma_start3A_174 = arith.constant 0 : i32
    %dma_start3A_175 = tpu.memref_slice %arg2[%dma_start3A_173, %dma_start3A_174] : memref<1024x128xf32, #tpu.memory_space<hbm>> -> memref<1024x128xf32, #tpu.memory_space<hbm>>
    tpu.enqueue_indirect_dma source(%dma_start3A_175 : memref<1024x128xf32, #tpu.memory_space<hbm>>) target(%arg7 : memref<256x128xf32, #tpu.memory_space<vmem>>) offsets(%dma_start3A_172 : memref<256xi32, #tpu.memory_space<vmem>>) semaphore(%arg8 : memref<!tpu.dma_semaphore, #tpu.memory_space<semaphore_mem>>)
    %add3A_176 = arith.constant 2048 : i32
    %add3A_177 = arith.addi %mul3A_2, %add3A_176 : i32
    %dma_start3A_178 = arith.constant 0 : i32
    %dma_start3A_179 = tpu.memref_slice %arg4[%add3A_177, %dma_start3A_178] : memref<147456x128xf32, #tpu.memory_space<hbm>> -> memref<256x128xf32, #tpu.memory_space<hbm>>
    %dma_start3A_180 = arith.constant 0 : i32
    %dma_start3A_181 = tpu.memref_slice %arg4[%add3A_177, %dma_start3A_180] : memref<147456x128xf32, #tpu.memory_space<hbm>> -> memref<256x128xf32, #tpu.memory_space<hbm>>
    tpu.enqueue_dma source(%arg6 : memref<256x128xf32, #tpu.memory_space<vmem>>) target(%dma_start3A_181 : memref<256x128xf32, #tpu.memory_space<hbm>>) target_semaphore(%arg9 : memref<!tpu.dma_semaphore, #tpu.memory_space<semaphore_mem>>)
    %dma_wait3A_182 = arith.constant 2304 : i32
    %dma_wait3A_183 = tpu.memref_slice %arg5[%dma_wait3A_182] : memref<4608xi32, #tpu.memory_space<vmem>> -> memref<256xi32, #tpu.memory_space<vmem>>
    %dma_wait3A_184 = arith.constant 0 : i32
    %dma_wait3A_185 = arith.constant 0 : i32
    %dma_wait3A_186 = tpu.memref_slice %arg2[%dma_wait3A_184, %dma_wait3A_185] : memref<1024x128xf32, #tpu.memory_space<hbm>> -> memref<1024x128xf32, #tpu.memory_space<hbm>>
    tpu.wait_indirect_dma semaphore(%arg8 : memref<!tpu.dma_semaphore, #tpu.memory_space<semaphore_mem>>) src(%dma_wait3A_186 : memref<1024x128xf32, #tpu.memory_space<hbm>>) dst(%arg7 : memref<256x128xf32, #tpu.memory_space<vmem>>)
    %dma_wait3A_187 = arith.constant 0 : i32
    %dma_wait3A_188 = tpu.memref_slice %arg4[%add3A_177, %dma_wait3A_187] : memref<147456x128xf32, #tpu.memory_space<hbm>> -> memref<256x128xf32, #tpu.memory_space<hbm>>
    %dma_wait3A_189 = arith.constant 0 : i32
    %dma_wait3A_190 = tpu.memref_slice %arg4[%add3A_177, %dma_wait3A_189] : memref<147456x128xf32, #tpu.memory_space<hbm>> -> memref<256x128xf32, #tpu.memory_space<hbm>>
    tpu.wait_dma2 semaphore(%arg9 : memref<!tpu.dma_semaphore, #tpu.memory_space<semaphore_mem>>) src(%arg6 : memref<256x128xf32, #tpu.memory_space<vmem>>) dst(%dma_wait3A_190 : memref<256x128xf32, #tpu.memory_space<hbm>>)
    %dma_start3A_191 = arith.constant 2560 : i32
    %dma_start3A_192 = tpu.memref_slice %arg5[%dma_start3A_191] : memref<4608xi32, #tpu.memory_space<vmem>> -> memref<256xi32, #tpu.memory_space<vmem>>
    %dma_start3A_193 = arith.constant 0 : i32
    %dma_start3A_194 = arith.constant 0 : i32
    %dma_start3A_195 = tpu.memref_slice %arg2[%dma_start3A_193, %dma_start3A_194] : memref<1024x128xf32, #tpu.memory_space<hbm>> -> memref<1024x128xf32, #tpu.memory_space<hbm>>
    tpu.enqueue_indirect_dma source(%dma_start3A_195 : memref<1024x128xf32, #tpu.memory_space<hbm>>) target(%arg6 : memref<256x128xf32, #tpu.memory_space<vmem>>) offsets(%dma_start3A_192 : memref<256xi32, #tpu.memory_space<vmem>>) semaphore(%arg8 : memref<!tpu.dma_semaphore, #tpu.memory_space<semaphore_mem>>)
    %add3A_196 = arith.constant 2304 : i32
    %add3A_197 = arith.addi %mul3A_2, %add3A_196 : i32
    %dma_start3A_198 = arith.constant 0 : i32
    %dma_start3A_199 = tpu.memref_slice %arg4[%add3A_197, %dma_start3A_198] : memref<147456x128xf32, #tpu.memory_space<hbm>> -> memref<256x128xf32, #tpu.memory_space<hbm>>
    %dma_start3A_200 = arith.constant 0 : i32
    %dma_start3A_201 = tpu.memref_slice %arg4[%add3A_197, %dma_start3A_200] : memref<147456x128xf32, #tpu.memory_space<hbm>> -> memref<256x128xf32, #tpu.memory_space<hbm>>
    tpu.enqueue_dma source(%arg7 : memref<256x128xf32, #tpu.memory_space<vmem>>) target(%dma_start3A_201 : memref<256x128xf32, #tpu.memory_space<hbm>>) target_semaphore(%arg9 : memref<!tpu.dma_semaphore, #tpu.memory_space<semaphore_mem>>)
    %dma_wait3A_202 = arith.constant 2560 : i32
    %dma_wait3A_203 = tpu.memref_slice %arg5[%dma_wait3A_202] : memref<4608xi32, #tpu.memory_space<vmem>> -> memref<256xi32, #tpu.memory_space<vmem>>
    %dma_wait3A_204 = arith.constant 0 : i32
    %dma_wait3A_205 = arith.constant 0 : i32
    %dma_wait3A_206 = tpu.memref_slice %arg2[%dma_wait3A_204, %dma_wait3A_205] : memref<1024x128xf32, #tpu.memory_space<hbm>> -> memref<1024x128xf32, #tpu.memory_space<hbm>>
    tpu.wait_indirect_dma semaphore(%arg8 : memref<!tpu.dma_semaphore, #tpu.memory_space<semaphore_mem>>) src(%dma_wait3A_206 : memref<1024x128xf32, #tpu.memory_space<hbm>>) dst(%arg6 : memref<256x128xf32, #tpu.memory_space<vmem>>)
    %dma_wait3A_207 = arith.constant 0 : i32
    %dma_wait3A_208 = tpu.memref_slice %arg4[%add3A_197, %dma_wait3A_207] : memref<147456x128xf32, #tpu.memory_space<hbm>> -> memref<256x128xf32, #tpu.memory_space<hbm>>
    %dma_wait3A_209 = arith.constant 0 : i32
    %dma_wait3A_210 = tpu.memref_slice %arg4[%add3A_197, %dma_wait3A_209] : memref<147456x128xf32, #tpu.memory_space<hbm>> -> memref<256x128xf32, #tpu.memory_space<hbm>>
    tpu.wait_dma2 semaphore(%arg9 : memref<!tpu.dma_semaphore, #tpu.memory_space<semaphore_mem>>) src(%arg7 : memref<256x128xf32, #tpu.memory_space<vmem>>) dst(%dma_wait3A_210 : memref<256x128xf32, #tpu.memory_space<hbm>>)
    %dma_start3A_211 = arith.constant 2816 : i32
    %dma_start3A_212 = tpu.memref_slice %arg5[%dma_start3A_211] : memref<4608xi32, #tpu.memory_space<vmem>> -> memref<256xi32, #tpu.memory_space<vmem>>
    %dma_start3A_213 = arith.constant 0 : i32
    %dma_start3A_214 = arith.constant 0 : i32
    %dma_start3A_215 = tpu.memref_slice %arg2[%dma_start3A_213, %dma_start3A_214] : memref<1024x128xf32, #tpu.memory_space<hbm>> -> memref<1024x128xf32, #tpu.memory_space<hbm>>
    tpu.enqueue_indirect_dma source(%dma_start3A_215 : memref<1024x128xf32, #tpu.memory_space<hbm>>) target(%arg7 : memref<256x128xf32, #tpu.memory_space<vmem>>) offsets(%dma_start3A_212 : memref<256xi32, #tpu.memory_space<vmem>>) semaphore(%arg8 : memref<!tpu.dma_semaphore, #tpu.memory_space<semaphore_mem>>)
    %add3A_216 = arith.constant 2560 : i32
    %add3A_217 = arith.addi %mul3A_2, %add3A_216 : i32
    %dma_start3A_218 = arith.constant 0 : i32
    %dma_start3A_219 = tpu.memref_slice %arg4[%add3A_217, %dma_start3A_218] : memref<147456x128xf32, #tpu.memory_space<hbm>> -> memref<256x128xf32, #tpu.memory_space<hbm>>
    %dma_start3A_220 = arith.constant 0 : i32
    %dma_start3A_221 = tpu.memref_slice %arg4[%add3A_217, %dma_start3A_220] : memref<147456x128xf32, #tpu.memory_space<hbm>> -> memref<256x128xf32, #tpu.memory_space<hbm>>
    tpu.enqueue_dma source(%arg6 : memref<256x128xf32, #tpu.memory_space<vmem>>) target(%dma_start3A_221 : memref<256x128xf32, #tpu.memory_space<hbm>>) target_semaphore(%arg9 : memref<!tpu.dma_semaphore, #tpu.memory_space<semaphore_mem>>)
    %dma_wait3A_222 = arith.constant 2816 : i32
    %dma_wait3A_223 = tpu.memref_slice %arg5[%dma_wait3A_222] : memref<4608xi32, #tpu.memory_space<vmem>> -> memref<256xi32, #tpu.memory_space<vmem>>
    %dma_wait3A_224 = arith.constant 0 : i32
    %dma_wait3A_225 = arith.constant 0 : i32
    %dma_wait3A_226 = tpu.memref_slice %arg2[%dma_wait3A_224, %dma_wait3A_225] : memref<1024x128xf32, #tpu.memory_space<hbm>> -> memref<1024x128xf32, #tpu.memory_space<hbm>>
    tpu.wait_indirect_dma semaphore(%arg8 : memref<!tpu.dma_semaphore, #tpu.memory_space<semaphore_mem>>) src(%dma_wait3A_226 : memref<1024x128xf32, #tpu.memory_space<hbm>>) dst(%arg7 : memref<256x128xf32, #tpu.memory_space<vmem>>)
    %dma_wait3A_227 = arith.constant 0 : i32
    %dma_wait3A_228 = tpu.memref_slice %arg4[%add3A_217, %dma_wait3A_227] : memref<147456x128xf32, #tpu.memory_space<hbm>> -> memref<256x128xf32, #tpu.memory_space<hbm>>
    %dma_wait3A_229 = arith.constant 0 : i32
    %dma_wait3A_230 = tpu.memref_slice %arg4[%add3A_217, %dma_wait3A_229] : memref<147456x128xf32, #tpu.memory_space<hbm>> -> memref<256x128xf32, #tpu.memory_space<hbm>>
    tpu.wait_dma2 semaphore(%arg9 : memref<!tpu.dma_semaphore, #tpu.memory_space<semaphore_mem>>) src(%arg6 : memref<256x128xf32, #tpu.memory_space<vmem>>) dst(%dma_wait3A_230 : memref<256x128xf32, #tpu.memory_space<hbm>>)
    %dma_start3A_231 = arith.constant 3072 : i32
    %dma_start3A_232 = tpu.memref_slice %arg5[%dma_start3A_231] : memref<4608xi32, #tpu.memory_space<vmem>> -> memref<256xi32, #tpu.memory_space<vmem>>
    %dma_start3A_233 = arith.constant 0 : i32
    %dma_start3A_234 = arith.constant 0 : i32
    %dma_start3A_235 = tpu.memref_slice %arg2[%dma_start3A_233, %dma_start3A_234] : memref<1024x128xf32, #tpu.memory_space<hbm>> -> memref<1024x128xf32, #tpu.memory_space<hbm>>
    tpu.enqueue_indirect_dma source(%dma_start3A_235 : memref<1024x128xf32, #tpu.memory_space<hbm>>) target(%arg6 : memref<256x128xf32, #tpu.memory_space<vmem>>) offsets(%dma_start3A_232 : memref<256xi32, #tpu.memory_space<vmem>>) semaphore(%arg8 : memref<!tpu.dma_semaphore, #tpu.memory_space<semaphore_mem>>)
    %add3A_236 = arith.constant 2816 : i32
    %add3A_237 = arith.addi %mul3A_2, %add3A_236 : i32
    %dma_start3A_238 = arith.constant 0 : i32
    %dma_start3A_239 = tpu.memref_slice %arg4[%add3A_237, %dma_start3A_238] : memref<147456x128xf32, #tpu.memory_space<hbm>> -> memref<256x128xf32, #tpu.memory_space<hbm>>
    %dma_start3A_240 = arith.constant 0 : i32
    %dma_start3A_241 = tpu.memref_slice %arg4[%add3A_237, %dma_start3A_240] : memref<147456x128xf32, #tpu.memory_space<hbm>> -> memref<256x128xf32, #tpu.memory_space<hbm>>
    tpu.enqueue_dma source(%arg7 : memref<256x128xf32, #tpu.memory_space<vmem>>) target(%dma_start3A_241 : memref<256x128xf32, #tpu.memory_space<hbm>>) target_semaphore(%arg9 : memref<!tpu.dma_semaphore, #tpu.memory_space<semaphore_mem>>)
    %dma_wait3A_242 = arith.constant 3072 : i32
    %dma_wait3A_243 = tpu.memref_slice %arg5[%dma_wait3A_242] : memref<4608xi32, #tpu.memory_space<vmem>> -> memref<256xi32, #tpu.memory_space<vmem>>
    %dma_wait3A_244 = arith.constant 0 : i32
    %dma_wait3A_245 = arith.constant 0 : i32
    %dma_wait3A_246 = tpu.memref_slice %arg2[%dma_wait3A_244, %dma_wait3A_245] : memref<1024x128xf32, #tpu.memory_space<hbm>> -> memref<1024x128xf32, #tpu.memory_space<hbm>>
    tpu.wait_indirect_dma semaphore(%arg8 : memref<!tpu.dma_semaphore, #tpu.memory_space<semaphore_mem>>) src(%dma_wait3A_246 : memref<1024x128xf32, #tpu.memory_space<hbm>>) dst(%arg6 : memref<256x128xf32, #tpu.memory_space<vmem>>)
    %dma_wait3A_247 = arith.constant 0 : i32
    %dma_wait3A_248 = tpu.memref_slice %arg4[%add3A_237, %dma_wait3A_247] : memref<147456x128xf32, #tpu.memory_space<hbm>> -> memref<256x128xf32, #tpu.memory_space<hbm>>
    %dma_wait3A_249 = arith.constant 0 : i32
    %dma_wait3A_250 = tpu.memref_slice %arg4[%add3A_237, %dma_wait3A_249] : memref<147456x128xf32, #tpu.memory_space<hbm>> -> memref<256x128xf32, #tpu.memory_space<hbm>>
    tpu.wait_dma2 semaphore(%arg9 : memref<!tpu.dma_semaphore, #tpu.memory_space<semaphore_mem>>) src(%arg7 : memref<256x128xf32, #tpu.memory_space<vmem>>) dst(%dma_wait3A_250 : memref<256x128xf32, #tpu.memory_space<hbm>>)
    %dma_start3A_251 = arith.constant 3328 : i32
    %dma_start3A_252 = tpu.memref_slice %arg5[%dma_start3A_251] : memref<4608xi32, #tpu.memory_space<vmem>> -> memref<256xi32, #tpu.memory_space<vmem>>
    %dma_start3A_253 = arith.constant 0 : i32
    %dma_start3A_254 = arith.constant 0 : i32
    %dma_start3A_255 = tpu.memref_slice %arg2[%dma_start3A_253, %dma_start3A_254] : memref<1024x128xf32, #tpu.memory_space<hbm>> -> memref<1024x128xf32, #tpu.memory_space<hbm>>
    tpu.enqueue_indirect_dma source(%dma_start3A_255 : memref<1024x128xf32, #tpu.memory_space<hbm>>) target(%arg7 : memref<256x128xf32, #tpu.memory_space<vmem>>) offsets(%dma_start3A_252 : memref<256xi32, #tpu.memory_space<vmem>>) semaphore(%arg8 : memref<!tpu.dma_semaphore, #tpu.memory_space<semaphore_mem>>)
    %add3A_256 = arith.constant 3072 : i32
    %add3A_257 = arith.addi %mul3A_2, %add3A_256 : i32
    %dma_start3A_258 = arith.constant 0 : i32
    %dma_start3A_259 = tpu.memref_slice %arg4[%add3A_257, %dma_start3A_258] : memref<147456x128xf32, #tpu.memory_space<hbm>> -> memref<256x128xf32, #tpu.memory_space<hbm>>
    %dma_start3A_260 = arith.constant 0 : i32
    %dma_start3A_261 = tpu.memref_slice %arg4[%add3A_257, %dma_start3A_260] : memref<147456x128xf32, #tpu.memory_space<hbm>> -> memref<256x128xf32, #tpu.memory_space<hbm>>
    tpu.enqueue_dma source(%arg6 : memref<256x128xf32, #tpu.memory_space<vmem>>) target(%dma_start3A_261 : memref<256x128xf32, #tpu.memory_space<hbm>>) target_semaphore(%arg9 : memref<!tpu.dma_semaphore, #tpu.memory_space<semaphore_mem>>)
    %dma_wait3A_262 = arith.constant 3328 : i32
    %dma_wait3A_263 = tpu.memref_slice %arg5[%dma_wait3A_262] : memref<4608xi32, #tpu.memory_space<vmem>> -> memref<256xi32, #tpu.memory_space<vmem>>
    %dma_wait3A_264 = arith.constant 0 : i32
    %dma_wait3A_265 = arith.constant 0 : i32
    %dma_wait3A_266 = tpu.memref_slice %arg2[%dma_wait3A_264, %dma_wait3A_265] : memref<1024x128xf32, #tpu.memory_space<hbm>> -> memref<1024x128xf32, #tpu.memory_space<hbm>>
    tpu.wait_indirect_dma semaphore(%arg8 : memref<!tpu.dma_semaphore, #tpu.memory_space<semaphore_mem>>) src(%dma_wait3A_266 : memref<1024x128xf32, #tpu.memory_space<hbm>>) dst(%arg7 : memref<256x128xf32, #tpu.memory_space<vmem>>)
    %dma_wait3A_267 = arith.constant 0 : i32
    %dma_wait3A_268 = tpu.memref_slice %arg4[%add3A_257, %dma_wait3A_267] : memref<147456x128xf32, #tpu.memory_space<hbm>> -> memref<256x128xf32, #tpu.memory_space<hbm>>
    %dma_wait3A_269 = arith.constant 0 : i32
    %dma_wait3A_270 = tpu.memref_slice %arg4[%add3A_257, %dma_wait3A_269] : memref<147456x128xf32, #tpu.memory_space<hbm>> -> memref<256x128xf32, #tpu.memory_space<hbm>>
    tpu.wait_dma2 semaphore(%arg9 : memref<!tpu.dma_semaphore, #tpu.memory_space<semaphore_mem>>) src(%arg6 : memref<256x128xf32, #tpu.memory_space<vmem>>) dst(%dma_wait3A_270 : memref<256x128xf32, #tpu.memory_space<hbm>>)
    %dma_start3A_271 = arith.constant 3584 : i32
    %dma_start3A_272 = tpu.memref_slice %arg5[%dma_start3A_271] : memref<4608xi32, #tpu.memory_space<vmem>> -> memref<256xi32, #tpu.memory_space<vmem>>
    %dma_start3A_273 = arith.constant 0 : i32
    %dma_start3A_274 = arith.constant 0 : i32
    %dma_start3A_275 = tpu.memref_slice %arg2[%dma_start3A_273, %dma_start3A_274] : memref<1024x128xf32, #tpu.memory_space<hbm>> -> memref<1024x128xf32, #tpu.memory_space<hbm>>
    tpu.enqueue_indirect_dma source(%dma_start3A_275 : memref<1024x128xf32, #tpu.memory_space<hbm>>) target(%arg6 : memref<256x128xf32, #tpu.memory_space<vmem>>) offsets(%dma_start3A_272 : memref<256xi32, #tpu.memory_space<vmem>>) semaphore(%arg8 : memref<!tpu.dma_semaphore, #tpu.memory_space<semaphore_mem>>)
    %add3A_276 = arith.constant 3328 : i32
    %add3A_277 = arith.addi %mul3A_2, %add3A_276 : i32
    %dma_start3A_278 = arith.constant 0 : i32
    %dma_start3A_279 = tpu.memref_slice %arg4[%add3A_277, %dma_start3A_278] : memref<147456x128xf32, #tpu.memory_space<hbm>> -> memref<256x128xf32, #tpu.memory_space<hbm>>
    %dma_start3A_280 = arith.constant 0 : i32
    %dma_start3A_281 = tpu.memref_slice %arg4[%add3A_277, %dma_start3A_280] : memref<147456x128xf32, #tpu.memory_space<hbm>> -> memref<256x128xf32, #tpu.memory_space<hbm>>
    tpu.enqueue_dma source(%arg7 : memref<256x128xf32, #tpu.memory_space<vmem>>) target(%dma_start3A_281 : memref<256x128xf32, #tpu.memory_space<hbm>>) target_semaphore(%arg9 : memref<!tpu.dma_semaphore, #tpu.memory_space<semaphore_mem>>)
    %dma_wait3A_282 = arith.constant 3584 : i32
    %dma_wait3A_283 = tpu.memref_slice %arg5[%dma_wait3A_282] : memref<4608xi32, #tpu.memory_space<vmem>> -> memref<256xi32, #tpu.memory_space<vmem>>
    %dma_wait3A_284 = arith.constant 0 : i32
    %dma_wait3A_285 = arith.constant 0 : i32
    %dma_wait3A_286 = tpu.memref_slice %arg2[%dma_wait3A_284, %dma_wait3A_285] : memref<1024x128xf32, #tpu.memory_space<hbm>> -> memref<1024x128xf32, #tpu.memory_space<hbm>>
    tpu.wait_indirect_dma semaphore(%arg8 : memref<!tpu.dma_semaphore, #tpu.memory_space<semaphore_mem>>) src(%dma_wait3A_286 : memref<1024x128xf32, #tpu.memory_space<hbm>>) dst(%arg6 : memref<256x128xf32, #tpu.memory_space<vmem>>)
    %dma_wait3A_287 = arith.constant 0 : i32
    %dma_wait3A_288 = tpu.memref_slice %arg4[%add3A_277, %dma_wait3A_287] : memref<147456x128xf32, #tpu.memory_space<hbm>> -> memref<256x128xf32, #tpu.memory_space<hbm>>
    %dma_wait3A_289 = arith.constant 0 : i32
    %dma_wait3A_290 = tpu.memref_slice %arg4[%add3A_277, %dma_wait3A_289] : memref<147456x128xf32, #tpu.memory_space<hbm>> -> memref<256x128xf32, #tpu.memory_space<hbm>>
    tpu.wait_dma2 semaphore(%arg9 : memref<!tpu.dma_semaphore, #tpu.memory_space<semaphore_mem>>) src(%arg7 : memref<256x128xf32, #tpu.memory_space<vmem>>) dst(%dma_wait3A_290 : memref<256x128xf32, #tpu.memory_space<hbm>>)
    %dma_start3A_291 = arith.constant 3840 : i32
    %dma_start3A_292 = tpu.memref_slice %arg5[%dma_start3A_291] : memref<4608xi32, #tpu.memory_space<vmem>> -> memref<256xi32, #tpu.memory_space<vmem>>
    %dma_start3A_293 = arith.constant 0 : i32
    %dma_start3A_294 = arith.constant 0 : i32
    %dma_start3A_295 = tpu.memref_slice %arg2[%dma_start3A_293, %dma_start3A_294] : memref<1024x128xf32, #tpu.memory_space<hbm>> -> memref<1024x128xf32, #tpu.memory_space<hbm>>
    tpu.enqueue_indirect_dma source(%dma_start3A_295 : memref<1024x128xf32, #tpu.memory_space<hbm>>) target(%arg7 : memref<256x128xf32, #tpu.memory_space<vmem>>) offsets(%dma_start3A_292 : memref<256xi32, #tpu.memory_space<vmem>>) semaphore(%arg8 : memref<!tpu.dma_semaphore, #tpu.memory_space<semaphore_mem>>)
    %add3A_296 = arith.constant 3584 : i32
    %add3A_297 = arith.addi %mul3A_2, %add3A_296 : i32
    %dma_start3A_298 = arith.constant 0 : i32
    %dma_start3A_299 = tpu.memref_slice %arg4[%add3A_297, %dma_start3A_298] : memref<147456x128xf32, #tpu.memory_space<hbm>> -> memref<256x128xf32, #tpu.memory_space<hbm>>
    %dma_start3A_300 = arith.constant 0 : i32
    %dma_start3A_301 = tpu.memref_slice %arg4[%add3A_297, %dma_start3A_300] : memref<147456x128xf32, #tpu.memory_space<hbm>> -> memref<256x128xf32, #tpu.memory_space<hbm>>
    tpu.enqueue_dma source(%arg6 : memref<256x128xf32, #tpu.memory_space<vmem>>) target(%dma_start3A_301 : memref<256x128xf32, #tpu.memory_space<hbm>>) target_semaphore(%arg9 : memref<!tpu.dma_semaphore, #tpu.memory_space<semaphore_mem>>)
    %dma_wait3A_302 = arith.constant 3840 : i32
    %dma_wait3A_303 = tpu.memref_slice %arg5[%dma_wait3A_302] : memref<4608xi32, #tpu.memory_space<vmem>> -> memref<256xi32, #tpu.memory_space<vmem>>
    %dma_wait3A_304 = arith.constant 0 : i32
    %dma_wait3A_305 = arith.constant 0 : i32
    %dma_wait3A_306 = tpu.memref_slice %arg2[%dma_wait3A_304, %dma_wait3A_305] : memref<1024x128xf32, #tpu.memory_space<hbm>> -> memref<1024x128xf32, #tpu.memory_space<hbm>>
    tpu.wait_indirect_dma semaphore(%arg8 : memref<!tpu.dma_semaphore, #tpu.memory_space<semaphore_mem>>) src(%dma_wait3A_306 : memref<1024x128xf32, #tpu.memory_space<hbm>>) dst(%arg7 : memref<256x128xf32, #tpu.memory_space<vmem>>)
    %dma_wait3A_307 = arith.constant 0 : i32
    %dma_wait3A_308 = tpu.memref_slice %arg4[%add3A_297, %dma_wait3A_307] : memref<147456x128xf32, #tpu.memory_space<hbm>> -> memref<256x128xf32, #tpu.memory_space<hbm>>
    %dma_wait3A_309 = arith.constant 0 : i32
    %dma_wait3A_310 = tpu.memref_slice %arg4[%add3A_297, %dma_wait3A_309] : memref<147456x128xf32, #tpu.memory_space<hbm>> -> memref<256x128xf32, #tpu.memory_space<hbm>>
    tpu.wait_dma2 semaphore(%arg9 : memref<!tpu.dma_semaphore, #tpu.memory_space<semaphore_mem>>) src(%arg6 : memref<256x128xf32, #tpu.memory_space<vmem>>) dst(%dma_wait3A_310 : memref<256x128xf32, #tpu.memory_space<hbm>>)
    %dma_start3A_311 = arith.constant 4096 : i32
    %dma_start3A_312 = tpu.memref_slice %arg5[%dma_start3A_311] : memref<4608xi32, #tpu.memory_space<vmem>> -> memref<256xi32, #tpu.memory_space<vmem>>
    %dma_start3A_313 = arith.constant 0 : i32
    %dma_start3A_314 = arith.constant 0 : i32
    %dma_start3A_315 = tpu.memref_slice %arg2[%dma_start3A_313, %dma_start3A_314] : memref<1024x128xf32, #tpu.memory_space<hbm>> -> memref<1024x128xf32, #tpu.memory_space<hbm>>
    tpu.enqueue_indirect_dma source(%dma_start3A_315 : memref<1024x128xf32, #tpu.memory_space<hbm>>) target(%arg6 : memref<256x128xf32, #tpu.memory_space<vmem>>) offsets(%dma_start3A_312 : memref<256xi32, #tpu.memory_space<vmem>>) semaphore(%arg8 : memref<!tpu.dma_semaphore, #tpu.memory_space<semaphore_mem>>)
    %add3A_316 = arith.constant 3840 : i32
    %add3A_317 = arith.addi %mul3A_2, %add3A_316 : i32
    %dma_start3A_318 = arith.constant 0 : i32
    %dma_start3A_319 = tpu.memref_slice %arg4[%add3A_317, %dma_start3A_318] : memref<147456x128xf32, #tpu.memory_space<hbm>> -> memref<256x128xf32, #tpu.memory_space<hbm>>
    %dma_start3A_320 = arith.constant 0 : i32
    %dma_start3A_321 = tpu.memref_slice %arg4[%add3A_317, %dma_start3A_320] : memref<147456x128xf32, #tpu.memory_space<hbm>> -> memref<256x128xf32, #tpu.memory_space<hbm>>
    tpu.enqueue_dma source(%arg7 : memref<256x128xf32, #tpu.memory_space<vmem>>) target(%dma_start3A_321 : memref<256x128xf32, #tpu.memory_space<hbm>>) target_semaphore(%arg9 : memref<!tpu.dma_semaphore, #tpu.memory_space<semaphore_mem>>)
    %dma_wait3A_322 = arith.constant 4096 : i32
    %dma_wait3A_323 = tpu.memref_slice %arg5[%dma_wait3A_322] : memref<4608xi32, #tpu.memory_space<vmem>> -> memref<256xi32, #tpu.memory_space<vmem>>
    %dma_wait3A_324 = arith.constant 0 : i32
    %dma_wait3A_325 = arith.constant 0 : i32
    %dma_wait3A_326 = tpu.memref_slice %arg2[%dma_wait3A_324, %dma_wait3A_325] : memref<1024x128xf32, #tpu.memory_space<hbm>> -> memref<1024x128xf32, #tpu.memory_space<hbm>>
    tpu.wait_indirect_dma semaphore(%arg8 : memref<!tpu.dma_semaphore, #tpu.memory_space<semaphore_mem>>) src(%dma_wait3A_326 : memref<1024x128xf32, #tpu.memory_space<hbm>>) dst(%arg6 : memref<256x128xf32, #tpu.memory_space<vmem>>)
    %dma_wait3A_327 = arith.constant 0 : i32
    %dma_wait3A_328 = tpu.memref_slice %arg4[%add3A_317, %dma_wait3A_327] : memref<147456x128xf32, #tpu.memory_space<hbm>> -> memref<256x128xf32, #tpu.memory_space<hbm>>
    %dma_wait3A_329 = arith.constant 0 : i32
    %dma_wait3A_330 = tpu.memref_slice %arg4[%add3A_317, %dma_wait3A_329] : memref<147456x128xf32, #tpu.memory_space<hbm>> -> memref<256x128xf32, #tpu.memory_space<hbm>>
    tpu.wait_dma2 semaphore(%arg9 : memref<!tpu.dma_semaphore, #tpu.memory_space<semaphore_mem>>) src(%arg7 : memref<256x128xf32, #tpu.memory_space<vmem>>) dst(%dma_wait3A_330 : memref<256x128xf32, #tpu.memory_space<hbm>>)
    %dma_start3A_331 = arith.constant 4352 : i32
    %dma_start3A_332 = tpu.memref_slice %arg5[%dma_start3A_331] : memref<4608xi32, #tpu.memory_space<vmem>> -> memref<256xi32, #tpu.memory_space<vmem>>
    %dma_start3A_333 = arith.constant 0 : i32
    %dma_start3A_334 = arith.constant 0 : i32
    %dma_start3A_335 = tpu.memref_slice %arg2[%dma_start3A_333, %dma_start3A_334] : memref<1024x128xf32, #tpu.memory_space<hbm>> -> memref<1024x128xf32, #tpu.memory_space<hbm>>
    tpu.enqueue_indirect_dma source(%dma_start3A_335 : memref<1024x128xf32, #tpu.memory_space<hbm>>) target(%arg7 : memref<256x128xf32, #tpu.memory_space<vmem>>) offsets(%dma_start3A_332 : memref<256xi32, #tpu.memory_space<vmem>>) semaphore(%arg8 : memref<!tpu.dma_semaphore, #tpu.memory_space<semaphore_mem>>)
    %add3A_336 = arith.constant 4096 : i32
    %add3A_337 = arith.addi %mul3A_2, %add3A_336 : i32
    %dma_start3A_338 = arith.constant 0 : i32
    %dma_start3A_339 = tpu.memref_slice %arg4[%add3A_337, %dma_start3A_338] : memref<147456x128xf32, #tpu.memory_space<hbm>> -> memref<256x128xf32, #tpu.memory_space<hbm>>
    %dma_start3A_340 = arith.constant 0 : i32
    %dma_start3A_341 = tpu.memref_slice %arg4[%add3A_337, %dma_start3A_340] : memref<147456x128xf32, #tpu.memory_space<hbm>> -> memref<256x128xf32, #tpu.memory_space<hbm>>
    tpu.enqueue_dma source(%arg6 : memref<256x128xf32, #tpu.memory_space<vmem>>) target(%dma_start3A_341 : memref<256x128xf32, #tpu.memory_space<hbm>>) target_semaphore(%arg9 : memref<!tpu.dma_semaphore, #tpu.memory_space<semaphore_mem>>)
    %dma_wait3A_342 = arith.constant 4352 : i32
    %dma_wait3A_343 = tpu.memref_slice %arg5[%dma_wait3A_342] : memref<4608xi32, #tpu.memory_space<vmem>> -> memref<256xi32, #tpu.memory_space<vmem>>
    %dma_wait3A_344 = arith.constant 0 : i32
    %dma_wait3A_345 = arith.constant 0 : i32
    %dma_wait3A_346 = tpu.memref_slice %arg2[%dma_wait3A_344, %dma_wait3A_345] : memref<1024x128xf32, #tpu.memory_space<hbm>> -> memref<1024x128xf32, #tpu.memory_space<hbm>>
    tpu.wait_indirect_dma semaphore(%arg8 : memref<!tpu.dma_semaphore, #tpu.memory_space<semaphore_mem>>) src(%dma_wait3A_346 : memref<1024x128xf32, #tpu.memory_space<hbm>>) dst(%arg7 : memref<256x128xf32, #tpu.memory_space<vmem>>)
    %dma_wait3A_347 = arith.constant 0 : i32
    %dma_wait3A_348 = tpu.memref_slice %arg4[%add3A_337, %dma_wait3A_347] : memref<147456x128xf32, #tpu.memory_space<hbm>> -> memref<256x128xf32, #tpu.memory_space<hbm>>
    %dma_wait3A_349 = arith.constant 0 : i32
    %dma_wait3A_350 = tpu.memref_slice %arg4[%add3A_337, %dma_wait3A_349] : memref<147456x128xf32, #tpu.memory_space<hbm>> -> memref<256x128xf32, #tpu.memory_space<hbm>>
    tpu.wait_dma2 semaphore(%arg9 : memref<!tpu.dma_semaphore, #tpu.memory_space<semaphore_mem>>) src(%arg6 : memref<256x128xf32, #tpu.memory_space<vmem>>) dst(%dma_wait3A_350 : memref<256x128xf32, #tpu.memory_space<hbm>>)
    %add3A_351 = arith.constant 4352 : i32
    %add3A_352 = arith.addi %mul3A_2, %add3A_351 : i32
    %dma_start3A_353 = arith.constant 0 : i32
    %dma_start3A_354 = tpu.memref_slice %arg4[%add3A_352, %dma_start3A_353] : memref<147456x128xf32, #tpu.memory_space<hbm>> -> memref<256x128xf32, #tpu.memory_space<hbm>>
    %dma_start3A_355 = arith.constant 0 : i32
    %dma_start3A_356 = tpu.memref_slice %arg4[%add3A_352, %dma_start3A_355] : memref<147456x128xf32, #tpu.memory_space<hbm>> -> memref<256x128xf32, #tpu.memory_space<hbm>>
    tpu.enqueue_dma source(%arg7 : memref<256x128xf32, #tpu.memory_space<vmem>>) target(%dma_start3A_356 : memref<256x128xf32, #tpu.memory_space<hbm>>) target_semaphore(%arg9 : memref<!tpu.dma_semaphore, #tpu.memory_space<semaphore_mem>>)
    %dma_wait3A_357 = arith.constant 0 : i32
    %dma_wait3A_358 = tpu.memref_slice %arg4[%add3A_352, %dma_wait3A_357] : memref<147456x128xf32, #tpu.memory_space<hbm>> -> memref<256x128xf32, #tpu.memory_space<hbm>>
    %dma_wait3A_359 = arith.constant 0 : i32
    %dma_wait3A_360 = tpu.memref_slice %arg4[%add3A_352, %dma_wait3A_359] : memref<147456x128xf32, #tpu.memory_space<hbm>> -> memref<256x128xf32, #tpu.memory_space<hbm>>
    tpu.wait_dma2 semaphore(%arg9 : memref<!tpu.dma_semaphore, #tpu.memory_space<semaphore_mem>>) src(%arg7 : memref<256x128xf32, #tpu.memory_space<vmem>>) dst(%dma_wait3A_360 : memref<256x128xf32, #tpu.memory_space<hbm>>)
    return
  }
}

module attributes {stable_mosaic.version = 14 : i64} {
  func.func @_vq_block(%arg0: i32, %arg1: memref<1024x64xf32, #tpu.memory_space<vmem>>, %arg2: memref<1024x64xf32, #tpu.memory_space<vmem>>, %arg3: memref<1x1024xf32, #tpu.memory_space<vmem>>, %arg4: memref<1024x1xf32, #tpu.memory_space<vmem>>, %arg5: memref<8x128xi32, #tpu.memory_space<vmem>>, %arg6: memref<1x1x1xf32, #tpu.memory_space<vmem>>) attributes {dimension_semantics = [#tpu.dimension_semantics<parallel>], iteration_bounds = array<i64: 144>, scalar_prefetch = 0 : i64, scratch_operands = 0 : i64, tpu.core_type = #tpu.core_type<tc>, window_params = [{transform_indices = @transform_0, window_bounds = array<i64: 1024, 64>}, {pipeline_mode = #tpu.pipeline_mode<synchronous>, transform_indices = @transform_1, window_bounds = array<i64: 1024, 64>}, {transform_indices = @transform_2, window_bounds = array<i64: 1, 1024>}, {pipeline_mode = #tpu.pipeline_mode<synchronous>, transform_indices = @transform_3, window_bounds = array<i64: 1024, 1>}, {transform_indices = @transform_4, window_bounds = array<i64: 8, 128>}, {transform_indices = @transform_5, window_bounds = array<i64: 1, 1, 1>}]} {
    %get3A = arith.constant 0 : index
    %get3A_0 = arith.constant 0 : index
    %get3A_1 = vector.load %arg1[%get3A, %get3A_0] : memref<1024x64xf32, #tpu.memory_space<vmem>>, vector<1024x64xf32>
    %get3A_2 = arith.constant 0 : index
    %get3A_3 = arith.constant 0 : index
    %get3A_4 = vector.load %arg2[%get3A_2, %get3A_3] : memref<1024x64xf32, #tpu.memory_space<vmem>>, vector<1024x64xf32>
    %dot_general3A = arith.constant dense<0.000000e+00> : vector<1024x1024xf32>
    %dot_general3A_5 = tpu.matmul %get3A_4, %get3A_1, %dot_general3A {dimension_numbers = #tpu.dot_dimension_numbers<[1], [1], [0], [0], [0, 0, 1, 0], [], []>, transpose_lhs_hint = false} : vector<1024x64xf32>, vector<1024x64xf32>, vector<1024x1024xf32> -> vector<1024x1024xf32>
    %get3A_6 = arith.constant 0 : index
    %get3A_7 = arith.constant 0 : index
    %get3A_8 = vector.load %arg3[%get3A_6, %get3A_7] : memref<1x1024xf32, #tpu.memory_space<vmem>>, vector<1x1024xf32>
    %get3A_9 = arith.constant 0 : index
    %get3A_10 = arith.constant 0 : index
    %get3A_11 = vector.load %arg4[%get3A_9, %get3A_10] : memref<1024x1xf32, #tpu.memory_space<vmem>>, vector<1024x1xf32>
    %add3A = vector.broadcast %get3A_8 : vector<1x1024xf32> to vector<1024x1024xf32>
    %add3A_12 = vector.broadcast %get3A_11 : vector<1024x1xf32> to vector<1024x1024xf32>
    %add3A_13 = arith.addf %add3A, %add3A_12 : vector<1024x1024xf32>
    %mul3A = arith.constant 2.000000e+00 : f32
    %mul3A_14 = vector.broadcast %mul3A : f32 to vector<1024x1024xf32>
    %mul3A_15 = arith.mulf %mul3A_14, %dot_general3A_5 : vector<1024x1024xf32>
    %sub3A = arith.subf %add3A_13, %mul3A_15 : vector<1024x1024xf32>
    %reduce_min3A = arith.constant dense<0x7F800000> : vector<1024xf32>
    %reduce_min3A_16 = vector.multi_reduction <minimumf>, %sub3A, %reduce_min3A [0] : vector<1024x1024xf32> to vector<1024xf32>
    %broadcast_in_dim3A = vector.shape_cast %reduce_min3A_16 : vector<1024xf32> to vector<1x1024xf32>
    %iota3A = tpu.iota {dimensions = array<i32: 0>} : vector<1024x1xi32>
    %convert_element_type3A = arith.sitofp %iota3A : vector<1024x1xi32> to vector<1024x1xf32>
    %eq3A = vector.broadcast %broadcast_in_dim3A : vector<1x1024xf32> to vector<1024x1024xf32>
    %eq3A_17 = arith.cmpf oeq, %sub3A, %eq3A : vector<1024x1024xf32>
    %jit3A = arith.constant 1.024000e+03 : f32
    %broadcast_in_dim3A_18 = vector.shape_cast %convert_element_type3A : vector<1024x1xf32> to vector<1024x1xf32>
    %broadcast_in_dim3A_19 = vector.broadcast %broadcast_in_dim3A_18 : vector<1024x1xf32> to vector<1024x1024xf32>
    %broadcast_in_dim3A_20 = vector.broadcast %jit3A : f32 to vector<1024x1024xf32>
    %select_n3A = arith.select %eq3A_17, %broadcast_in_dim3A_19, %broadcast_in_dim3A_20 : vector<1024x1024xi1>, vector<1024x1024xf32>
    %reduce_min3A_21 = arith.constant dense<0x7F800000> : vector<1024xf32>
    %reduce_min3A_22 = vector.multi_reduction <minimumf>, %select_n3A, %reduce_min3A_21 [0] : vector<1024x1024xf32> to vector<1024xf32>
    %broadcast_in_dim3A_23 = vector.shape_cast %reduce_min3A_22 : vector<1024xf32> to vector<1x1024xf32>
    %convert_element_type3A_24 = arith.fptosi %broadcast_in_dim3A_23 : vector<1x1024xf32> to vector<1x1024xi32>
    %reshape3A = vector.shape_cast %convert_element_type3A_24 : vector<1x1024xi32> to vector<8x128xi32>
    %swap3A = arith.constant 0 : index
    %swap3A_25 = arith.constant 0 : index
    %swap3A_26 = vector.load %arg5[%swap3A, %swap3A_25] : memref<8x128xi32, #tpu.memory_space<vmem>>, vector<8x128xi32>
    tpu.vector_store %arg5[%swap3A, %swap3A_25], %reshape3A {strides = array<i32>} : memref<8x128xi32, #tpu.memory_space<vmem>>, vector<8x128xi32>,
    %reduce_sum3A = vector.shape_cast %broadcast_in_dim3A : vector<1x1024xf32> to vector<1x1x1024xf32>
    %reduce_sum3A_27 = arith.constant dense<0.000000e+00> : vector<1xf32>
    %reduce_sum3A_28 = vector.multi_reduction <add>, %reduce_sum3A, %reduce_sum3A_27 [1, 2] : vector<1x1x1024xf32> to vector<1xf32>
    %reduce_sum3A_29 = vector.shape_cast %reduce_sum3A_28 : vector<1xf32> to vector<1x1x1xf32>
    %reduce_sum3A_30 = vector.extract %reduce_sum3A_29[0, 0, 0] : f32 from vector<1x1x1xf32>
    %reshape3A_31 = vector.broadcast %reduce_sum3A_30 : f32 to vector<1x1x1xf32>
    %swap3A_32 = arith.constant 0 : index
    %swap3A_33 = arith.constant 0 : index
    %swap3A_34 = arith.constant 0 : index
    %swap3A_35 = vector.load %arg6[%swap3A_32, %swap3A_33, %swap3A_34] : memref<1x1x1xf32, #tpu.memory_space<vmem>>, vector<1x1x1xf32>
    tpu.vector_store %arg6[%swap3A_32, %swap3A_33, %swap3A_34], %reshape3A_31 {strides = array<i32>} : memref<1x1x1xf32, #tpu.memory_space<vmem>>, vector<1x1x1xf32>,
    return
  }
  func.func @transform_0(%arg0: i32) -> (i32, i32) {
    %add3A = arith.constant 0 : i32
    %add3A_0 = arith.addi %arg0, %add3A : i32
    %c0_i32 = arith.constant 0 : i32
    %c0_i32_1 = arith.constant 0 : i32
    return %add3A_0, %c0_i32 : i32, i32
  }
  func.func @transform_1(%arg0: i32) -> (i32, i32) {
    %c0_i32 = arith.constant 0 : i32
    %c0_i32_0 = arith.constant 0 : i32
    %c0_i32_1 = arith.constant 0 : i32
    return %c0_i32, %c0_i32_0 : i32, i32
  }
  func.func @transform_2(%arg0: i32) -> (i32, i32) {
    %add3A = arith.constant 0 : i32
    %add3A_0 = arith.addi %arg0, %add3A : i32
    %c0_i32 = arith.constant 0 : i32
    %c0_i32_1 = arith.constant 0 : i32
    return %c0_i32, %add3A_0 : i32, i32
  }
  func.func @transform_3(%arg0: i32) -> (i32, i32) {
    %c0_i32 = arith.constant 0 : i32
    %c0_i32_0 = arith.constant 0 : i32
    %c0_i32_1 = arith.constant 0 : i32
    return %c0_i32, %c0_i32_0 : i32, i32
  }
  func.func @transform_4(%arg0: i32) -> (i32, i32) {
    %c0_i32 = arith.constant 0 : i32
    %c0_i32_0 = arith.constant 0 : i32
    return %arg0, %c0_i32 : i32, i32
  }
  func.func @transform_5(%arg0: i32) -> (i32, i32, i32) {
    %c0_i32 = arith.constant 0 : i32
    %c0_i32_0 = arith.constant 0 : i32
    %c0_i32_1 = arith.constant 0 : i32
    return %arg0, %c0_i32, %c0_i32_0 : i32, i32, i32
  }
}

</mosaic_0001>

<sc_bundles>
// kernel: kernel.4.cloned.1.call-start
scs
__scs_entry_jumppad:
0x0: {  	(pc) =	sbr.rel $0x88, $3  }
0x1: {  	(tag) =	ssettag $0x0;
	lr =	simm.s32 $0x1  }
0x2: {  	[smem:$0x3F9F] =	sst lr;
	_ =	strace $0xD0000000  }
0x3: {  	_ = 	snop  }
0x4: {  	_ = 	snop  }
0x5: {  	_ = 	snop  }
0x6: {  	_ = 	snop  }
0x7: {  	_ = 	snop  }
__scs_overlays_trampoline_lowered:
0x8: {  	[smem:$0x3FAE] =	sst s0  }
0x9: {  	[smem:$0x3FAF] =	sst s1  }
0xa: {  	[smem:$0x3FB0] =	sst s2  }
0xb: {  	[smem:$0x3FB1] =	sst s3  }
0xc: {  	[smem:$0x3FB2] =	sst s4  }
0xd: {  	[smem:$0x3FB3] =	sst s5  }
0xe: {  	[smem:$0x3FB4] =	sst s6  }
0xf: {  	[smem:$0x3FB5] =	sst s7  }
0x10: {  	[smem:$0x3FB6] =	sst s8  }
0x11: {  	[smem:$0x3FB7] =	sst s9;
	s0 =	simm.s32 @!p0 $0x0  }
0x12: {  	s1 =	sld [smem:$0x3F9D];
	s0 =	simm.s32 @p0 $0x1  }
0x13: {  	[smem:$0x3FB8] =	sst s0;
	s0 =	simm.s32 @!p1 $0x0  }
0x14: {  	s2 =	sld [smem:$0x3F9C];
	s0 =	simm.s32 @p1 $0x1  }
0x15: {  	[smem:$0x3FB9] =	sst s0;
	s0 =	simm.s32 @!p2 $0x0  }
0x16: {  	s3 =	sld [smem:$0x3FDB];
	s0 =	simm.s32 @p2 $0x1  }
0x17: {  	s4 =	simm.s32 $0x1BF5;
	[smem:$0x3FBB] =	sst s0  }
0x18: {  	s0 =	sld [smem:$0x3F9E];
	_ =	swait.ge [sflag:s4], $0x0  }
0x19: {  	s7 =	sld [smem:$0x3F9F]  }
0x1a: {  	s8 =	sadd.s32 $0xFFFFE003, lr  }
0x1b: {  	s9 =	sadd.s32 $0xFFFFFEF7, lr;
	s5 =	simm.s32 $0xFFFFFFFF;
	p2 =	slt.u32 s8, $0xFFFFF086  }
0x1c: {  	p1 =	slt.u32 s9, $0xF7A;
	s5 =	simm.s32 @!p2 $0x0  }
0x1d: {  	s5 =	simm.s32 @p1 $0x1;
	p0 =	seq.s32 s7, s2  }
0x1e: {  	s7 =	smul.u32 @!p0 $0xF7A, s2;
	p2 =	seq.s32 @!p0 s5, $0x0  }
0x1f: {  	s9 =	smul.u32 $0xF7A, s1;
	s8 =	simm.s32 @!p0 $0x1BF5;
	p2 =	por !p2, p0  }
0x20: {  	[sflag:s8] =	ssyncset.s32 @!p0 $0xFFFFF086;
	s6 =	sadd.s32 @!p0 s3, s7;
	s7 =	simm.s32 @!p0 $0x108  }
0x21: {  	s3 =	sadd.s32 s3, s9;
	s6 =	sadd.s32 @!p0 $0x88, s6;
	s7 =	simm.s32 @p2 $0x1082  }
0x22: {  	[simem:s7], [sflag:s8] =	dma.local @!p0 [hbm:s6], $0xF7A  }
0x23: {  	s9 =	sor.u32 $0xD0000000, s2;
	s6 =	simm.s32 $0x108;
	_ =	swait.ge @!p0 [sflag:s8], $0x0  }
0x24: {  	s3 =	sadd.s32 $0x88, s3;
	s6 =	simm.s32 @!p1 $0x1082;
	[sflag:s4] =	ssyncset.s32 $0xFFFFF086  }
0x25: {  	[simem:s6], [sflag:s4] =	dma.local [hbm:s3], $0xF7A  }
0x26: {  	[smem:$0x3F9F] =	sst s1;
	(tag) =	ssettag s2;
	_ =	strace s9  }
0x27: {  	s1 =	sld [smem:$0x3FAF]  }
0x28: {  	s2 =	sld [smem:$0x3FB0]  }
0x29: {  	s4 =	sld [smem:$0x3FB2]  }
0x2a: {  	p0 =	seq.s32 s5, $0x0;
	s5 =	sld [smem:$0x3FB3]  }
0x2b: {  	s6 =	sld [smem:$0x3FB4]  }
0x2c: {  	s7 =	sld [smem:$0x3FB5]  }
0x2d: {  	s3 =	simm.s32 $0x108;
	s8 =	sld [smem:$0x3FB6]  }
0x2e: {  	s3 =	simm.s32 @!p0 $0x1082;
	s9 =	sld [smem:$0x3FB7]  }
0x2f: {  	lr =	sadd.s32 s0, s3;
	s0 =	sld [smem:$0x3FAE]  }
0x30: {  	s3 =	sld [smem:$0x3FB1]  }
0x31: {  	[smem:$0x3FBA] =	sst s10  }
0x32: {  	s10 =	sld [smem:$0x3FB8];
	_ =	sdelay $0x3  }
0x33: {  	p0 =	seq.s32 s10, $0x1;
	s10 =	sld [smem:$0x3FBA];
	_ =	sdelay $0x3  }
0x34: {  	[smem:$0x3FBA] =	sst s10  }
0x35: {  	s10 =	sld [smem:$0x3FB9];
	_ =	sdelay $0x3  }
0x36: {  	p1 =	seq.s32 s10, $0x1;
	s10 =	sld [smem:$0x3FBA];
	_ =	sdelay $0x3  }
0x37: {  	[smem:$0x3FBA] =	sst s10  }
0x38: {  	s10 =	sld [smem:$0x3FBB]  }
0x39: {  	_ = 	snop;
	(pc) =	sbr.ind lr, $3  }
0x3a: {  	_ = 	snop  }
0x3b: {  	_ = 	snop  }
0x3c: {  	p2 =	seq.s32 s10, $0x1;
	s10 =	sld [smem:$0x3FBA]  }
0x3d: {  	_ =	shalt  }
0x3e: {  	_ =	shalt  }
0x3f: {  	_ =	shalt  }
0x40: {  	_ =	shalt  }
0x41: {  	_ =	shalt  }
0x42: {  	_ =	shalt  }
0x43: {  	_ =	shalt  }
0x44: {  	_ =	shalt  }
0x45: {  	_ =	shalt  }
0x46: {  	_ =	shalt  }
0x47: {  	_ =	shalt  }
0x48: {  	_ =	shalt  }
0x49: {  	_ =	shalt  }
0x4a: {  	_ =	shalt  }
0x4b: {  	_ =	shalt  }
0x4c: {  	_ =	shalt  }
0x4d: {  	_ =	shalt  }
0x4e: {  	_ =	shalt  }
0x4f: {  	_ =	shalt  }
0x50: {  	_ =	shalt  }
0x51: {  	_ =	shalt  }
0x52: {  	_ =	shalt  }
0x53: {  	_ =	shalt  }
0x54: {  	_ =	shalt  }
0x55: {  	_ =	shalt  }
0x56: {  	_ =	shalt  }
0x57: {  	_ =	shalt  }
0x58: {  	_ =	shalt  }
0x59: {  	_ =	shalt  }
0x5a: {  	_ =	shalt  }
0x5b: {  	_ =	shalt  }
0x5c: {  	_ =	shalt  }
0x5d: {  	_ =	shalt  }
0x5e: {  	_ =	shalt  }
0x5f: {  	_ =	shalt  }
0x60: {  	_ =	shalt  }
0x61: {  	_ =	shalt  }
0x62: {  	_ =	shalt  }
0x63: {  	_ =	shalt  }
0x64: {  	_ =	shalt  }
0x65: {  	_ =	shalt  }
0x66: {  	_ =	shalt  }
0x67: {  	_ =	shalt  }
0x68: {  	_ =	shalt  }
0x69: {  	_ =	shalt  }
0x6a: {  	_ =	shalt  }
0x6b: {  	_ =	shalt  }
0x6c: {  	_ =	shalt  }
0x6d: {  	_ =	shalt  }
0x6e: {  	_ =	shalt  }
0x6f: {  	_ =	shalt  }
0x70: {  	_ =	shalt  }
0x71: {  	_ =	shalt  }
0x72: {  	_ =	shalt  }
0x73: {  	_ =	shalt  }
0x74: {  	_ =	shalt  }
0x75: {  	_ =	shalt  }
0x76: {  	_ =	shalt  }
0x77: {  	_ =	shalt  }
0x78: {  	_ =	shalt  }
0x79: {  	_ =	shalt  }
0x7a: {  	_ =	shalt  }
0x7b: {  	_ =	shalt  }
0x7c: {  	_ =	shalt  }
0x7d: {  	_ =	shalt  }
0x7e: {  	_ =	shalt  }
0x7f: {  	_ =	shalt  }
0x80: {  	_ =	shalt  }
0x81: {  	_ =	shalt  }
0x82: {  	_ =	shalt  }
0x83: {  	_ =	shalt  }
0x84: {  	_ =	shalt  }
0x85: {  	_ =	shalt  }
0x86: {  	_ =	shalt  }
0x87: {  	_ =	shalt  }
.Lfunc_end0:
.L_simem_size_0:
called_computation.1_lowered:
.L_overlay_start_0:
0x88: {  	s2 =	sld [smem:$0x3FD9]  }
0x89: {  	s3 =	sld [smem:$0x3FFE];
	_ =	sdelay $0x1  }
0x8a: {  	s1 =	srdreg.scid  }
0x8b: {  	s0 =	sand.u32 $0x1, s1  }
0x8c: {  	s14 =	sshll.u32 s0, $0xA;
	s2 =	sadd.s32 s3, s2  }
0x8d: {  	s2 =	sadd.s32 s2, s14  }
0x8e: {  	[smem:$0x3FC6] =	sst s2  }
0x8f: {  	_ = 	snop  }
0x90: {  	s2 =	sld [smem:$0x3FD0];
	_ =	sdelay $0x2  }
0x91: {  	s15 =	simm.s32 $0xA;
	s4 =	simm.s32 $0x10  }
0x92: {  	[smem:s4], [sflag:s15] =	dma.local [hbm:s2], $0x1  }
0x93: {  	_ =	swait.eq [sflag:s15], $0x1  }
0x94: {  	[sflag:s15] =	ssyncset.done $0x0  }
0x95: {  	s16 =	sld [smem:$0x10];
	[sflag:s15] =	ssyncadd.s32 $0xFFFFFFFF  }
0x96: {  	s17 =	sld [smem:$0x12];
	(tm) =	ssettm $0x1  }
0x97: {  	s18 =	sld [smem:$0x3FFB];
	_ =	sdelay $0x3  }
0x98: {  	_ =	strace s18  }
0x99: {  	s4 =	sld [smem:$0x3FFC];
	_ =	sdelay $0x3  }
0x9a: {  	_ =	strace s4  }
0x9b: {  	s4 =	sld [smem:$0x3FFD];
	_ =	sdelay $0x3  }
0x9c: {  	_ =	strace s4  }
0x9d: {  	_ =	strace $0x8FFFFFFF  }
0x9e: {  	s19 =	sld [smem:$0x3FDB];
	_ =	sdelay $0x1  }
0x9f: {  	s5 =	simm.s32 $_scs_section_size  }
0xa0: {  	s6 =	simm.s32 $_size__tile_overlayer_lowered;
	s7 =	simm.s32 $_tile_overlayer_lowered  }
0xa1: {  	s22 =	simm.s32 $0x1BFF;
	s21 =	sshll.u32 s7, $0x1;
	s4 =	sadd.s32 s5, s19  }
0xa2: {  	s8 =	simm.s32 $0x0;
	s20 =	sshll.u32 s6, $0x1;
	s6 =	sadd.s32 s21, s4  }
0xa3: {  	[timem:s8], [sflag:s22] =	dma.local [hbm:s6], s20  }
0xa4: {  	_ =	swait.ge [sflag:s22], s20  }
0xa5: {  	s5 =	ssub.s32 $0x0, s20;
	[sflag:s22] =	ssyncset.done $0x0  }
0xa6: {  	[sflag:s22] =	ssyncadd.s32 s5;
	_ =	sdelay $0x1  }
0xa7: {  	s23 =	simm.s32 $0x1B8B  }
0xa8: {  	_ =	swait.ge [sflag:s23], $0x1  }
0xa9: {  	[sflag:s23] =	ssyncset.done $0x0  }
0xaa: {  	s25 =	simm.s32 $0x1B8E;
	s24 =	sld [smem:$0x3FFE];
	[sflag:s23] =	ssyncadd.s32 $0xFFFFFFFF  }
0xab: {  	s26 =	simm.s32 $execute0_lowered;
	[smem:$0x3FD2] =	sst s25  }
0xac: {  	s6 =	sshll.u32 s26, $0x1;
	_ =	strace $0x80000046;
	[dreg:$0x1] =	wrdreg $0xFFFFFFFF  }
0xad: {  	s28 =	simm.s32 $_size_execute0_lowered;
	s4 =	sadd.s32 s4, s6;
	[dreg:$0x0] =	wrdreg $0x0  }
0xae: {  	s6 =	sshll.u32 s28, $0x1;
	[dreg:$0x2] =	wrdreg s4  }
0xaf: {  	[dreg:$0x3] =	wrdreg s6  }
0xb0: {  	[dreg:$0x4] =	wrdreg $0xC0  }
0xb1: {  	_ =	task [dreg:s8], $0x5FFFF  }
0xb2: {  	[dreg:$0x1] =	wrdreg $0xFFFFFFFF  }
0xb3: {  	[dreg:$0x0] =	wrdreg $0x60  }
0xb4: {  	[dreg:$0x2] =	wrdreg s16  }
0xb5: {  	[dreg:$0x3] =	wrdreg s17  }
0xb6: {  	[dreg:$0x4] =	wrdreg s24  }
0xb7: {  	[dreg:$0x5] =	wrdreg $0x9  }
0xb8: {  	_ =	task.clear_ibuf [dreg:s8], $0x6FFFF;
	_ =	strace $0x90000046  }
0xb9: {  	s29 =	simm.s32 $0x9;
	_ =	strace $0x80000048  }
0xba: {  	_ =	swait.ge [sflag:s29], $0x1  }
0xbb: {  	[sflag:s29] =	ssyncadd.s32 $0xFFFFFFFF  }
0xbc: {  	_ =	strace $0x90000048  }
0xbd: {  	_ =	sfence  }
0xbe: {  	s30 =	sld [smem:$0x0];
	_ =	sdelay $0x2  }
0xbf: {  	s31 =	sshll.u32 s1, $0xD;
	s1 =	sshrl.u32 s1, $0x2  }
0xc0: {  	s3 =	sand.u32 $0x4000, s31;
	s1 =	sadd.s32 s1, s30  }
0xc1: {  	s0 =	sor.u32 s3, s0;
	s1 =	sshll.u32 s1, $0x11  }
0xc2: {  	s0 =	sor.u32 s1, s0  }
0xc3: {  	s0 =	sadd.s32 $0x8F2B, s0  }
0xc4: {  	[sflag:s0] =	ssyncadd.remote.s32 $0x1  }
0xc5: {  	_ =	sfence.sel $0xFFFF  }
0xc6: {  	[dreg:$0x0] =	wrdreg $0xFFFFFFFF;
	(pc) =	sbr.abs _section_cstart, $3  }
0xc7: {  	[dreg:$0x1] =	wrdreg $0xFFFFFFFF  }
0xc8: {  	_ =	task.clear_ibuf [dreg:s8], $0x2FFFF;
	_ =	strace $0x9FFFFFFF  }
0xc9: {  	(tm) =	ssettm $0x7FFFFFFF  }
tec
execute0_lowered:
.L_overlay_start_1:
0x0: {  	(tag) =	ssettag $0x1  }
0x1: {  	s0 =	srdreg.scid;
	s1 =	stileid.u32  }
0x2: {  	s2 =	rddreg [dreg:$0x0];
	s0 =	sand.u32 $0x1, s0;
	s1 =	sshll.u32 s1, $0x1  }
0x3: {  	s4 =	rddreg [dreg:$0x1];
	s1 =	sor.u32 s0, s1  }
0x4: {  	s5 =	rddreg [dreg:$0x2];
	s6 =	smul.u32 $0x240, s1  }
0x5: {  	s3 =	simm.s32 $0x0;
	s0 =	ssub.s32 $0x2, s0;
	s7 =	smul.u32 $0x12000, s1  }
0x6: {  	[smem:$0x7FF] =	sst s3;
	s1 =	smul.u32 $0x90000, s1;
	s25 =	sshrl.u32 s0, $0x1  }
0x7: {  	s5 =	sadd.s32 $0xC00, s5;
	_ =	strace $0x80000047;
	s0 =	ssub.s32 s0, s25  }
0x8: {  	s4 =	sadd.s32 s4, s6;
	s24 =	sadd.s32 s5, s7;
	s1 =	sshrl.u32 s1, $0x3  }
0x9: {  	s0 =	smax.u32 s0, $0x1;
	[dreg:$0x4] =	wrdreg s4;
	s12 =	sadd.s32 $0x1000, s24  }
0xa: {  	s1 =	sadd.s32 s5, s1;
	p1 =	sne.s32 s0, $0x1;
	[dreg:$0x5] =	wrdreg s12  }
0xb: {  	s13 =	sadd.s32 $0x2000, s1;
	s14 =	sadd.s32 $0x3000, s1;
	s15 =	sadd.s32 $0x4000, s1  }
0xc: {  	s16 =	sadd.s32 $0x5000, s1;
	s17 =	sadd.s32 $0x6000, s1;
	s18 =	sadd.s32 $0x7000, s1  }
0xd: {  	s19 =	sadd.s32 $0x8000, s1;
	s20 =	sadd.s32 $0x9000, s1;
	s21 =	sadd.s32 $0xA000, s1  }
0xe: {  	s22 =	sadd.s32 $0xB000, s1;
	s23 =	sadd.s32 $0xC000, s1;
	s26 =	sadd.s32 $0xD000, s1  }
0xf: {  	s12 =	sadd.s32 $0xE000, s1;
	s11 =	sadd.s32 $0xF000, s1;
	s6 =	sadd.s32 $0x10000, s1  }
0x10: {  	s4 =	sadd.s32 $0x11000, s1;
	s1 =	sadd.s32 $0xFFFFFFFF, s0;
	s0 =	rddreg [dreg:$0x4]  }
0x11: {  	[dreg:$0x6] =	wrdreg s13  }
0x12: {  	[dreg:$0x7] =	wrdreg s14  }
0x13: {  	[dreg:$0x8] =	wrdreg s15  }
0x14: {  	[dreg:$0x9] =	wrdreg s16  }
0x15: {  	[dreg:$0xa] =	wrdreg s17  }
0x16: {  	[dreg:$0xb] =	wrdreg s18  }
0x17: {  	s31 =	simm.s32 $0x3;
	s9 =	simm.s32 $0x100;
	[dreg:$0xc] =	wrdreg s19  }
0x18: {  	s10 =	simm.s32 $0x1200;
	s8 =	simm.s32 $0x1;
	[dreg:$0xd] =	wrdreg s20  }
0x19: {  	s30 =	simm.s32 $0x200;
	s29 =	simm.s32 $0x300;
	[dreg:$0xe] =	wrdreg s21  }
0x1a: {  	s28 =	simm.s32 $0x400;
	p0 =	por $0x0, $0x0;
	[dreg:$0xf] =	wrdreg s22  }
0x1b: {  	s25 =	simm.s32 $0x600;
	s7 =	simm.s32 $0x9200;
	[dreg:$0x10] =	wrdreg s23  }
.Ltmp0:
0x1c: {  	s5 =	simm.s32 $0x2;
	[dreg:$0x11] =	wrdreg s26;
	(pc) =	sbr.rel @!p1 .LBB2_3-.Ltmp0, $4  }
0x1d: {  	s26 =	simm.s32 $0x500;
	s23 =	simm.s32 $0x700;
	s22 =	simm.s32 $0x800  }
0x1e: {  	s21 =	simm.s32 $0x900;
	s20 =	simm.s32 $0xA00;
	s19 =	simm.s32 $0xB00  }
0x1f: {  	s18 =	simm.s32 $0xC00;
	s17 =	simm.s32 $0xD00;
	s16 =	simm.s32 $0xE00  }
0x20: {  	s15 =	simm.s32 $0xF00;
	s14 =	simm.s32 $0x1000;
	s13 =	simm.s32 $0x1100  }
0x21: {  	[tilespmem:s3], [sflag:$0x3] =	stream.linear.gather [hbm4b:s0+s3], $0x1200, $0x38;
	[tilespmem:$0x11200] =	vst v63  }
0x22: {  	_ =	swait.ge [sflag:s31], $0x1200  }
0x23: {  	[sflag:s31] =	ssyncset.done $0x0  }
0x24: {  	[sflag:s31] =	ssyncadd.s32 $0xFFFFEE00  }
0x25: {  	[tilespmem:s10], [sflag:$0x1] =	stream.indirect.gather [hbm4b:s2+s9], $0x80, s3, s9, $0xb8;
	[tilespmem:$0x11200] =	vst v63  }
0x26: {  	_ =	swait.ge [sflag:s8], $0x8000  }
0x27: {  	[sflag:s8] =	ssyncset.done $0x0  }
0x28: {  	[sflag:s8] =	ssyncadd.s32 $0xFFFF8000  }
0x29: {  	[tilespmem:s7], [sflag:$0x1] =	stream.indirect.gather [hbm4b:s2+s9], $0x80, s9, s9, $0xb8;
	[tilespmem:$0x11200] =	vst v63  }
0x2a: {  	_ = 	snop  }
0x2b: {  	[hbm4b:s24+s3] =	stream.linear.scatter [tilespmem:s10], [sflag:$0x2], $0x8000, $0x38;
	[tilespmem:$0x11200] =	vst v63  }
0x2c: {  	_ =	swait.ge [sflag:s8], $0x8000  }
0x2d: {  	[sflag:s8] =	ssyncset.done $0x0  }
0x2e: {  	[sflag:s8] =	ssyncadd.s32 $0xFFFF8000  }
0x2f: {  	_ =	swait.ge [sflag:s5], $0x8000  }
0x30: {  	[sflag:s5] =	ssyncset.done $0x0  }
0x31: {  	[sflag:s5] =	ssyncadd.s32 $0xFFFF8000  }
0x32: {  	[tilespmem:s10], [sflag:$0x1] =	stream.indirect.gather [hbm4b:s2+s9], $0x80, s30, s9, $0xb8;
	[tilespmem:$0x11200] =	vst v63  }
0x33: {  	s0 =	rddreg [dreg:$0x5]  }
0x34: {  	[hbm4b:s0+s3] =	stream.linear.scatter [tilespmem:s7], [sflag:$0x2], $0x8000, $0x38;
	[tilespmem:$0x11200] =	vst v63  }
0x35: {  	_ =	swait.ge [sflag:s8], $0x8000  }
0x36: {  	[sflag:s8] =	ssyncset.done $0x0  }
0x37: {  	[sflag:s8] =	ssyncadd.s32 $0xFFFF8000  }
0x38: {  	_ =	swait.ge [sflag:s5], $0x8000  }
0x39: {  	[sflag:s5] =	ssyncset.done $0x0  }
0x3a: {  	[sflag:s5] =	ssyncadd.s32 $0xFFFF8000  }
0x3b: {  	[tilespmem:s7], [sflag:$0x1] =	stream.indirect.gather [hbm4b:s2+s9], $0x80, s29, s9, $0xb8;
	[tilespmem:$0x11200] =	vst v63  }
0x3c: {  	s0 =	rddreg [dreg:$0x6]  }
0x3d: {  	[hbm4b:s0+s3] =	stream.linear.scatter [tilespmem:s10], [sflag:$0x2], $0x8000, $0x38;
	[tilespmem:$0x11200] =	vst v63  }
0x3e: {  	_ =	swait.ge [sflag:s8], $0x8000  }
0x3f: {  	[sflag:s8] =	ssyncset.done $0x0  }
0x40: {  	[sflag:s8] =	ssyncadd.s32 $0xFFFF8000  }
0x41: {  	_ =	swait.ge [sflag:s5], $0x8000  }
0x42: {  	[sflag:s5] =	ssyncset.done $0x0  }
0x43: {  	[sflag:s5] =	ssyncadd.s32 $0xFFFF8000  }
0x44: {  	[tilespmem:s10], [sflag:$0x1] =	stream.indirect.gather [hbm4b:s2+s9], $0x80, s28, s9, $0xb8;
	[tilespmem:$0x11200] =	vst v63  }
0x45: {  	s0 =	rddreg [dreg:$0x7]  }
0x46: {  	[hbm4b:s0+s3] =	stream.linear.scatter [tilespmem:s7], [sflag:$0x2], $0x8000, $0x38;
	[tilespmem:$0x11200] =	vst v63  }
0x47: {  	_ =	swait.ge [sflag:s8], $0x8000  }
0x48: {  	[sflag:s8] =	ssyncset.done $0x0  }
0x49: {  	[sflag:s8] =	ssyncadd.s32 $0xFFFF8000  }
0x4a: {  	_ =	swait.ge [sflag:s5], $0x8000  }
0x4b: {  	[sflag:s5] =	ssyncset.done $0x0  }
0x4c: {  	[sflag:s5] =	ssyncadd.s32 $0xFFFF8000  }
0x4d: {  	[tilespmem:s7], [sflag:$0x1] =	stream.indirect.gather [hbm4b:s2+s9], $0x80, s26, s9, $0xb8;
	[tilespmem:$0x11200] =	vst v63  }
0x4e: {  	s0 =	rddreg [dreg:$0x8]  }
0x4f: {  	[hbm4b:s0+s3] =	stream.linear.scatter [tilespmem:s10], [sflag:$0x2], $0x8000, $0x38;
	[tilespmem:$0x11200] =	vst v63  }
0x50: {  	_ =	swait.ge [sflag:s8], $0x8000  }
0x51: {  	[sflag:s8] =	ssyncset.done $0x0  }
0x52: {  	[sflag:s8] =	ssyncadd.s32 $0xFFFF8000  }
0x53: {  	_ =	swait.ge [sflag:s5], $0x8000  }
0x54: {  	[sflag:s5] =	ssyncset.done $0x0  }
0x55: {  	[sflag:s5] =	ssyncadd.s32 $0xFFFF8000  }
0x56: {  	[tilespmem:s10], [sflag:$0x1] =	stream.indirect.gather [hbm4b:s2+s9], $0x80, s25, s9, $0xb8;
	[tilespmem:$0x11200] =	vst v63  }
0x57: {  	s0 =	rddreg [dreg:$0x9]  }
0x58: {  	[hbm4b:s0+s3] =	stream.linear.scatter [tilespmem:s7], [sflag:$0x2], $0x8000, $0x38;
	[tilespmem:$0x11200] =	vst v63  }
0x59: {  	_ =	swait.ge [sflag:s8], $0x8000  }
0x5a: {  	[sflag:s8] =	ssyncset.done $0x0  }
0x5b: {  	[sflag:s8] =	ssyncadd.s32 $0xFFFF8000  }
0x5c: {  	_ =	swait.ge [sflag:s5], $0x8000  }
0x5d: {  	[sflag:s5] =	ssyncset.done $0x0  }
0x5e: {  	[sflag:s5] =	ssyncadd.s32 $0xFFFF8000  }
0x5f: {  	[tilespmem:s7], [sflag:$0x1] =	stream.indirect.gather [hbm4b:s2+s9], $0x80, s23, s9, $0xb8;
	[tilespmem:$0x11200] =	vst v63  }
0x60: {  	s0 =	rddreg [dreg:$0xa]  }
0x61: {  	[hbm4b:s0+s3] =	stream.linear.scatter [tilespmem:s10], [sflag:$0x2], $0x8000, $0x38;
	[tilespmem:$0x11200] =	vst v63  }
0x62: {  	_ =	swait.ge [sflag:s8], $0x8000  }
0x63: {  	[sflag:s8] =	ssyncset.done $0x0  }
0x64: {  	[sflag:s8] =	ssyncadd.s32 $0xFFFF8000  }
0x65: {  	_ =	swait.ge [sflag:s5], $0x8000  }
0x66: {  	[sflag:s5] =	ssyncset.done $0x0  }
0x67: {  	[sflag:s5] =	ssyncadd.s32 $0xFFFF8000  }
0x68: {  	[tilespmem:s10], [sflag:$0x1] =	stream.indirect.gather [hbm4b:s2+s9], $0x80, s22, s9, $0xb8;
	[tilespmem:$0x11200] =	vst v63  }
0x69: {  	s0 =	rddreg [dreg:$0xb]  }
0x6a: {  	[hbm4b:s0+s3] =	stream.linear.scatter [tilespmem:s7], [sflag:$0x2], $0x8000, $0x38;
	[tilespmem:$0x11200] =	vst v63  }
0x6b: {  	_ =	swait.ge [sflag:s8], $0x8000  }
0x6c: {  	[sflag:s8] =	ssyncset.done $0x0  }
0x6d: {  	[sflag:s8] =	ssyncadd.s32 $0xFFFF8000  }
0x6e: {  	_ =	swait.ge [sflag:s5], $0x8000  }
0x6f: {  	[sflag:s5] =	ssyncset.done $0x0  }
0x70: {  	[sflag:s5] =	ssyncadd.s32 $0xFFFF8000  }
0x71: {  	[tilespmem:s7], [sflag:$0x1] =	stream.indirect.gather [hbm4b:s2+s9], $0x80, s21, s9, $0xb8;
	[tilespmem:$0x11200] =	vst v63  }
0x72: {  	s0 =	rddreg [dreg:$0xc]  }
0x73: {  	[hbm4b:s0+s3] =	stream.linear.scatter [tilespmem:s10], [sflag:$0x2], $0x8000, $0x38;
	[tilespmem:$0x11200] =	vst v63  }
0x74: {  	_ =	swait.ge [sflag:s8], $0x8000  }
0x75: {  	[sflag:s8] =	ssyncset.done $0x0  }
0x76: {  	[sflag:s8] =	ssyncadd.s32 $0xFFFF8000  }
0x77: {  	_ =	swait.ge [sflag:s5], $0x8000  }
0x78: {  	[sflag:s5] =	ssyncset.done $0x0  }
0x79: {  	[sflag:s5] =	ssyncadd.s32 $0xFFFF8000  }
0x7a: {  	[tilespmem:s10], [sflag:$0x1] =	stream.indirect.gather [hbm4b:s2+s9], $0x80, s20, s9, $0xb8;
	[tilespmem:$0x11200] =	vst v63  }
0x7b: {  	s0 =	rddreg [dreg:$0xd]  }
0x7c: {  	[hbm4b:s0+s3] =	stream.linear.scatter [tilespmem:s7], [sflag:$0x2], $0x8000, $0x38;
	[tilespmem:$0x11200] =	vst v63  }
0x7d: {  	_ =	swait.ge [sflag:s8], $0x8000  }
0x7e: {  	[sflag:s8] =	ssyncset.done $0x0  }
0x7f: {  	[sflag:s8] =	ssyncadd.s32 $0xFFFF8000  }
0x80: {  	_ =	swait.ge [sflag:s5], $0x8000  }
0x81: {  	[sflag:s5] =	ssyncset.done $0x0  }
0x82: {  	[sflag:s5] =	ssyncadd.s32 $0xFFFF8000  }
0x83: {  	[tilespmem:s7], [sflag:$0x1] =	stream.indirect.gather [hbm4b:s2+s9], $0x80, s19, s9, $0xb8;
	[tilespmem:$0x11200] =	vst v63  }
0x84: {  	s0 =	rddreg [dreg:$0xe]  }
0x85: {  	[hbm4b:s0+s3] =	stream.linear.scatter [tilespmem:s10], [sflag:$0x2], $0x8000, $0x38;
	[tilespmem:$0x11200] =	vst v63  }
0x86: {  	_ =	swait.ge [sflag:s8], $0x8000  }
0x87: {  	[sflag:s8] =	ssyncset.done $0x0  }
0x88: {  	[sflag:s8] =	ssyncadd.s32 $0xFFFF8000  }
0x89: {  	_ =	swait.ge [sflag:s5], $0x8000  }
0x8a: {  	[sflag:s5] =	ssyncset.done $0x0  }
0x8b: {  	[sflag:s5] =	ssyncadd.s32 $0xFFFF8000  }
0x8c: {  	[tilespmem:s10], [sflag:$0x1] =	stream.indirect.gather [hbm4b:s2+s9], $0x80, s18, s9, $0xb8;
	[tilespmem:$0x11200] =	vst v63  }
0x8d: {  	s0 =	rddreg [dreg:$0xf]  }
0x8e: {  	[hbm4b:s0+s3] =	stream.linear.scatter [tilespmem:s7], [sflag:$0x2], $0x8000, $0x38;
	[tilespmem:$0x11200] =	vst v63  }
0x8f: {  	_ =	swait.ge [sflag:s8], $0x8000  }
0x90: {  	[sflag:s8] =	ssyncset.done $0x0  }
0x91: {  	[sflag:s8] =	ssyncadd.s32 $0xFFFF8000  }
0x92: {  	_ =	swait.ge [sflag:s5], $0x8000  }
0x93: {  	[sflag:s5] =	ssyncset.done $0x0  }
0x94: {  	[sflag:s5] =	ssyncadd.s32 $0xFFFF8000  }
0x95: {  	[tilespmem:s7], [sflag:$0x1] =	stream.indirect.gather [hbm4b:s2+s9], $0x80, s17, s9, $0xb8;
	[tilespmem:$0x11200] =	vst v63  }
0x96: {  	s0 =	rddreg [dreg:$0x10]  }
0x97: {  	[hbm4b:s0+s3] =	stream.linear.scatter [tilespmem:s10], [sflag:$0x2], $0x8000, $0x38;
	[tilespmem:$0x11200] =	vst v63  }
0x98: {  	_ =	swait.ge [sflag:s8], $0x8000  }
0x99: {  	[sflag:s8] =	ssyncset.done $0x0  }
0x9a: {  	[sflag:s8] =	ssyncadd.s32 $0xFFFF8000  }
0x9b: {  	_ =	swait.ge [sflag:s5], $0x8000  }
0x9c: {  	[sflag:s5] =	ssyncset.done $0x0  }
0x9d: {  	[sflag:s5] =	ssyncadd.s32 $0xFFFF8000  }
0x9e: {  	[tilespmem:s10], [sflag:$0x1] =	stream.indirect.gather [hbm4b:s2+s9], $0x80, s16, s9, $0xb8;
	[tilespmem:$0x11200] =	vst v63  }
0x9f: {  	s0 =	rddreg [dreg:$0x11]  }
0xa0: {  	[hbm4b:s0+s3] =	stream.linear.scatter [tilespmem:s7], [sflag:$0x2], $0x8000, $0x38;
	[tilespmem:$0x11200] =	vst v63  }
0xa1: {  	_ =	swait.ge [sflag:s8], $0x8000  }
0xa2: {  	[sflag:s8] =	ssyncset.done $0x0  }
0xa3: {  	[sflag:s8] =	ssyncadd.s32 $0xFFFF8000  }
0xa4: {  	_ =	swait.ge [sflag:s5], $0x8000  }
0xa5: {  	[sflag:s5] =	ssyncset.done $0x0  }
0xa6: {  	[sflag:s5] =	ssyncadd.s32 $0xFFFF8000  }
0xa7: {  	[tilespmem:s7], [sflag:$0x1] =	stream.indirect.gather [hbm4b:s2+s9], $0x80, s15, s9, $0xb8;
	[tilespmem:$0x11200] =	vst v63  }
0xa8: {  	_ = 	snop  }
0xa9: {  	[hbm4b:s12+s3] =	stream.linear.scatter [tilespmem:s10], [sflag:$0x2], $0x8000, $0x38;
	[tilespmem:$0x11200] =	vst v63  }
0xaa: {  	_ =	swait.ge [sflag:s8], $0x8000  }
0xab: {  	[sflag:s8] =	ssyncset.done $0x0  }
0xac: {  	[sflag:s8] =	ssyncadd.s32 $0xFFFF8000  }
0xad: {  	_ =	swait.ge [sflag:s5], $0x8000  }
0xae: {  	[sflag:s5] =	ssyncset.done $0x0  }
0xaf: {  	[sflag:s5] =	ssyncadd.s32 $0xFFFF8000  }
0xb0: {  	[tilespmem:s10], [sflag:$0x1] =	stream.indirect.gather [hbm4b:s2+s9], $0x80, s14, s9, $0xb8;
	[tilespmem:$0x11200] =	vst v63  }
0xb1: {  	_ = 	snop  }
0xb2: {  	[hbm4b:s11+s3] =	stream.linear.scatter [tilespmem:s7], [sflag:$0x2], $0x8000, $0x38;
	[tilespmem:$0x11200] =	vst v63  }
0xb3: {  	_ =	swait.ge [sflag:s8], $0x8000  }
0xb4: {  	[sflag:s8] =	ssyncset.done $0x0  }
0xb5: {  	[sflag:s8] =	ssyncadd.s32 $0xFFFF8000  }
0xb6: {  	_ =	swait.ge [sflag:s5], $0x8000  }
0xb7: {  	[sflag:s5] =	ssyncset.done $0x0  }
0xb8: {  	[sflag:s5] =	ssyncadd.s32 $0xFFFF8000  }
0xb9: {  	[tilespmem:s7], [sflag:$0x1] =	stream.indirect.gather [hbm4b:s2+s9], $0x80, s13, s9, $0xb8;
	[tilespmem:$0x11200] =	vst v63  }
0xba: {  	_ = 	snop  }
0xbb: {  	[hbm4b:s6+s3] =	stream.linear.scatter [tilespmem:s10], [sflag:$0x2], $0x8000, $0x38;
	[tilespmem:$0x11200] =	vst v63  }
0xbc: {  	_ =	swait.ge [sflag:s8], $0x8000  }
0xbd: {  	[sflag:s8] =	ssyncset.done $0x0  }
0xbe: {  	[sflag:s8] =	ssyncadd.s32 $0xFFFF8000  }
0xbf: {  	p1 =	sne.s32 s1, $0x1;
	_ =	swait.ge [sflag:s5], $0x8000  }
.Ltmp1:
0xc0: {  	[sflag:s5] =	ssyncset.done $0x0;
	(pc) =	sbr.rel @!p1 .LBB2_3-.Ltmp1, $4  }
0xc1: {  	[sflag:s5] =	ssyncadd.s32 $0xFFFF8000  }
0xc2: {  	[hbm4b:s4+s3] =	stream.linear.scatter [tilespmem:s7], [sflag:$0x2], $0x8000, $0x38;
	[tilespmem:$0x11200] =	vst v63  }
0xc3: {  	s1 =	sadd.s32 $0xFFFFFFFF, s1;
	_ =	swait.ge [sflag:s5], $0x8000  }
0xc4: {  	p0 =	por $0x1, $0x1;
	s0 =	rddreg [dreg:$0x4];
	[sflag:s5] =	ssyncset.done $0x0  }
.LBB2_2:
0xc5: {  	[sflag:s5] =	ssyncadd.s32 $0xFFFF8000  }
0xc6: {  	[tilespmem:s3], [sflag:$0x3] =	stream.linear.gather [hbm4b:s0+s3], $0x1200, $0x38;
	[tilespmem:$0x11200] =	vst v63  }
0xc7: {  	_ =	swait.ge [sflag:s31], $0x1200  }
0xc8: {  	[sflag:s31] =	ssyncset.done $0x0  }
0xc9: {  	[sflag:s31] =	ssyncadd.s32 $0xFFFFEE00  }
0xca: {  	[tilespmem:s10], [sflag:$0x1] =	stream.indirect.gather [hbm4b:s2+s9], $0x80, s3, s9, $0xb8;
	[tilespmem:$0x11200] =	vst v63  }
0xcb: {  	_ =	swait.ge [sflag:s8], $0x8000  }
0xcc: {  	[sflag:s8] =	ssyncset.done $0x0  }
0xcd: {  	[sflag:s8] =	ssyncadd.s32 $0xFFFF8000  }
0xce: {  	[tilespmem:s7], [sflag:$0x1] =	stream.indirect.gather [hbm4b:s2+s9], $0x80, s9, s9, $0xb8;
	[tilespmem:$0x11200] =	vst v63  }
0xcf: {  	_ = 	snop  }
0xd0: {  	[hbm4b:s24+s3] =	stream.linear.scatter [tilespmem:s10], [sflag:$0x2], $0x8000, $0x38;
	[tilespmem:$0x11200] =	vst v63  }
0xd1: {  	_ =	swait.ge [sflag:s8], $0x8000  }
0xd2: {  	[sflag:s8] =	ssyncset.done $0x0  }
0xd3: {  	[sflag:s8] =	ssyncadd.s32 $0xFFFF8000  }
0xd4: {  	_ =	swait.ge [sflag:s5], $0x8000  }
0xd5: {  	[sflag:s5] =	ssyncset.done $0x0  }
0xd6: {  	[sflag:s5] =	ssyncadd.s32 $0xFFFF8000  }
0xd7: {  	[tilespmem:s10], [sflag:$0x1] =	stream.indirect.gather [hbm4b:s2+s9], $0x80, s30, s9, $0xb8;
	[tilespmem:$0x11200] =	vst v63  }
0xd8: {  	s0 =	rddreg [dreg:$0x5]  }
0xd9: {  	[hbm4b:s0+s3] =	stream.linear.scatter [tilespmem:s7], [sflag:$0x2], $0x8000, $0x38;
	[tilespmem:$0x11200] =	vst v63  }
0xda: {  	_ =	swait.ge [sflag:s8], $0x8000  }
0xdb: {  	[sflag:s8] =	ssyncset.done $0x0  }
0xdc: {  	[sflag:s8] =	ssyncadd.s32 $0xFFFF8000  }
0xdd: {  	_ =	swait.ge [sflag:s5], $0x8000  }
0xde: {  	[sflag:s5] =	ssyncset.done $0x0  }
0xdf: {  	[sflag:s5] =	ssyncadd.s32 $0xFFFF8000  }
0xe0: {  	[tilespmem:s7], [sflag:$0x1] =	stream.indirect.gather [hbm4b:s2+s9], $0x80, s29, s9, $0xb8;
	[tilespmem:$0x11200] =	vst v63  }
0xe1: {  	s0 =	rddreg [dreg:$0x6]  }
0xe2: {  	[hbm4b:s0+s3] =	stream.linear.scatter [tilespmem:s10], [sflag:$0x2], $0x8000, $0x38;
	[tilespmem:$0x11200] =	vst v63  }
0xe3: {  	_ =	swait.ge [sflag:s8], $0x8000  }
0xe4: {  	[sflag:s8] =	ssyncset.done $0x0  }
0xe5: {  	[sflag:s8] =	ssyncadd.s32 $0xFFFF8000  }
0xe6: {  	_ =	swait.ge [sflag:s5], $0x8000  }
0xe7: {  	[sflag:s5] =	ssyncset.done $0x0  }
0xe8: {  	[sflag:s5] =	ssyncadd.s32 $0xFFFF8000  }
0xe9: {  	[tilespmem:s10], [sflag:$0x1] =	stream.indirect.gather [hbm4b:s2+s9], $0x80, s28, s9, $0xb8;
	[tilespmem:$0x11200] =	vst v63  }
0xea: {  	s0 =	rddreg [dreg:$0x7]  }
0xeb: {  	[hbm4b:s0+s3] =	stream.linear.scatter [tilespmem:s7], [sflag:$0x2], $0x8000, $0x38;
	[tilespmem:$0x11200] =	vst v63  }
0xec: {  	_ =	swait.ge [sflag:s8], $0x8000  }
0xed: {  	[sflag:s8] =	ssyncset.done $0x0  }
0xee: {  	[sflag:s8] =	ssyncadd.s32 $0xFFFF8000  }
0xef: {  	_ =	swait.ge [sflag:s5], $0x8000  }
0xf0: {  	[sflag:s5] =	ssyncset.done $0x0  }
0xf1: {  	[sflag:s5] =	ssyncadd.s32 $0xFFFF8000  }
0xf2: {  	[tilespmem:s7], [sflag:$0x1] =	stream.indirect.gather [hbm4b:s2+s9], $0x80, s26, s9, $0xb8;
	[tilespmem:$0x11200] =	vst v63  }
0xf3: {  	s0 =	rddreg [dreg:$0x8]  }
0xf4: {  	[hbm4b:s0+s3] =	stream.linear.scatter [tilespmem:s10], [sflag:$0x2], $0x8000, $0x38;
	[tilespmem:$0x11200] =	vst v63  }
0xf5: {  	_ =	swait.ge [sflag:s8], $0x8000  }
0xf6: {  	[sflag:s8] =	ssyncset.done $0x0  }
0xf7: {  	[sflag:s8] =	ssyncadd.s32 $0xFFFF8000  }
0xf8: {  	_ =	swait.ge [sflag:s5], $0x8000  }
0xf9: {  	[sflag:s5] =	ssyncset.done $0x0  }
0xfa: {  	[sflag:s5] =	ssyncadd.s32 $0xFFFF8000  }
0xfb: {  	[tilespmem:s10], [sflag:$0x1] =	stream.indirect.gather [hbm4b:s2+s9], $0x80, s25, s9, $0xb8;
	[tilespmem:$0x11200] =	vst v63  }
0xfc: {  	s0 =	rddreg [dreg:$0x9]  }
0xfd: {  	[hbm4b:s0+s3] =	stream.linear.scatter [tilespmem:s7], [sflag:$0x2], $0x8000, $0x38;
	[tilespmem:$0x11200] =	vst v63  }
0xfe: {  	_ =	swait.ge [sflag:s8], $0x8000  }
0xff: {  	[sflag:s8] =	ssyncset.done $0x0  }
0x100: {  	[sflag:s8] =	ssyncadd.s32 $0xFFFF8000  }
0x101: {  	_ =	swait.ge [sflag:s5], $0x8000  }
0x102: {  	[sflag:s5] =	ssyncset.done $0x0  }
0x103: {  	[sflag:s5] =	ssyncadd.s32 $0xFFFF8000  }
0x104: {  	[tilespmem:s7], [sflag:$0x1] =	stream.indirect.gather [hbm4b:s2+s9], $0x80, s23, s9, $0xb8;
	[tilespmem:$0x11200] =	vst v63  }
0x105: {  	s0 =	rddreg [dreg:$0xa]  }
0x106: {  	[hbm4b:s0+s3] =	stream.linear.scatter [tilespmem:s10], [sflag:$0x2], $0x8000, $0x38;
	[tilespmem:$0x11200] =	vst v63  }
0x107: {  	_ =	swait.ge [sflag:s8], $0x8000  }
0x108: {  	[sflag:s8] =	ssyncset.done $0x0  }
0x109: {  	[sflag:s8] =	ssyncadd.s32 $0xFFFF8000  }
0x10a: {  	_ =	swait.ge [sflag:s5], $0x8000  }
0x10b: {  	[sflag:s5] =	ssyncset.done $0x0  }
0x10c: {  	[sflag:s5] =	ssyncadd.s32 $0xFFFF8000  }
0x10d: {  	[tilespmem:s10], [sflag:$0x1] =	stream.indirect.gather [hbm4b:s2+s9], $0x80, s22, s9, $0xb8;
	[tilespmem:$0x11200] =	vst v63  }
0x10e: {  	s0 =	rddreg [dreg:$0xb]  }
0x10f: {  	[hbm4b:s0+s3] =	stream.linear.scatter [tilespmem:s7], [sflag:$0x2], $0x8000, $0x38;
	[tilespmem:$0x11200] =	vst v63  }
0x110: {  	_ =	swait.ge [sflag:s8], $0x8000  }
0x111: {  	[sflag:s8] =	ssyncset.done $0x0  }
0x112: {  	[sflag:s8] =	ssyncadd.s32 $0xFFFF8000  }
0x113: {  	_ =	swait.ge [sflag:s5], $0x8000  }
0x114: {  	[sflag:s5] =	ssyncset.done $0x0  }
0x115: {  	[sflag:s5] =	ssyncadd.s32 $0xFFFF8000  }
0x116: {  	[tilespmem:s7], [sflag:$0x1] =	stream.indirect.gather [hbm4b:s2+s9], $0x80, s21, s9, $0xb8;
	[tilespmem:$0x11200] =	vst v63  }
0x117: {  	s0 =	rddreg [dreg:$0xc]  }
0x118: {  	[hbm4b:s0+s3] =	stream.linear.scatter [tilespmem:s10], [sflag:$0x2], $0x8000, $0x38;
	[tilespmem:$0x11200] =	vst v63  }
0x119: {  	_ =	swait.ge [sflag:s8], $0x8000  }
0x11a: {  	[sflag:s8] =	ssyncset.done $0x0  }
0x11b: {  	[sflag:s8] =	ssyncadd.s32 $0xFFFF8000  }
0x11c: {  	_ =	swait.ge [sflag:s5], $0x8000  }
0x11d: {  	[sflag:s5] =	ssyncset.done $0x0  }
0x11e: {  	[sflag:s5] =	ssyncadd.s32 $0xFFFF8000  }
0x11f: {  	[tilespmem:s10], [sflag:$0x1] =	stream.indirect.gather [hbm4b:s2+s9], $0x80, s20, s9, $0xb8;
	[tilespmem:$0x11200] =	vst v63  }
0x120: {  	s0 =	rddreg [dreg:$0xd]  }
0x121: {  	[hbm4b:s0+s3] =	stream.linear.scatter [tilespmem:s7], [sflag:$0x2], $0x8000, $0x38;
	[tilespmem:$0x11200] =	vst v63  }
0x122: {  	_ =	swait.ge [sflag:s8], $0x8000  }
0x123: {  	[sflag:s8] =	ssyncset.done $0x0  }
0x124: {  	[sflag:s8] =	ssyncadd.s32 $0xFFFF8000  }
0x125: {  	_ =	swait.ge [sflag:s5], $0x8000  }
0x126: {  	[sflag:s5] =	ssyncset.done $0x0  }
0x127: {  	[sflag:s5] =	ssyncadd.s32 $0xFFFF8000  }
0x128: {  	[tilespmem:s7], [sflag:$0x1] =	stream.indirect.gather [hbm4b:s2+s9], $0x80, s19, s9, $0xb8;
	[tilespmem:$0x11200] =	vst v63  }
0x129: {  	s0 =	rddreg [dreg:$0xe]  }
0x12a: {  	[hbm4b:s0+s3] =	stream.linear.scatter [tilespmem:s10], [sflag:$0x2], $0x8000, $0x38;
	[tilespmem:$0x11200] =	vst v63  }
0x12b: {  	_ =	swait.ge [sflag:s8], $0x8000  }
0x12c: {  	[sflag:s8] =	ssyncset.done $0x0  }
0x12d: {  	[sflag:s8] =	ssyncadd.s32 $0xFFFF8000  }
0x12e: {  	_ =	swait.ge [sflag:s5], $0x8000  }
0x12f: {  	[sflag:s5] =	ssyncset.done $0x0  }
0x130: {  	[sflag:s5] =	ssyncadd.s32 $0xFFFF8000  }
0x131: {  	[tilespmem:s10], [sflag:$0x1] =	stream.indirect.gather [hbm4b:s2+s9], $0x80, s18, s9, $0xb8;
	[tilespmem:$0x11200] =	vst v63  }
0x132: {  	s0 =	rddreg [dreg:$0xf]  }
0x133: {  	[hbm4b:s0+s3] =	stream.linear.scatter [tilespmem:s7], [sflag:$0x2], $0x8000, $0x38;
	[tilespmem:$0x11200] =	vst v63  }
0x134: {  	_ =	swait.ge [sflag:s8], $0x8000  }
0x135: {  	[sflag:s8] =	ssyncset.done $0x0  }
0x136: {  	[sflag:s8] =	ssyncadd.s32 $0xFFFF8000  }
0x137: {  	_ =	swait.ge [sflag:s5], $0x8000  }
0x138: {  	[sflag:s5] =	ssyncset.done $0x0  }
0x139: {  	[sflag:s5] =	ssyncadd.s32 $0xFFFF8000  }
0x13a: {  	[tilespmem:s7], [sflag:$0x1] =	stream.indirect.gather [hbm4b:s2+s9], $0x80, s17, s9, $0xb8;
	[tilespmem:$0x11200] =	vst v63  }
0x13b: {  	s0 =	rddreg [dreg:$0x10]  }
0x13c: {  	[hbm4b:s0+s3] =	stream.linear.scatter [tilespmem:s10], [sflag:$0x2], $0x8000, $0x38;
	[tilespmem:$0x11200] =	vst v63  }
0x13d: {  	_ =	swait.ge [sflag:s8], $0x8000  }
0x13e: {  	[sflag:s8] =	ssyncset.done $0x0  }
0x13f: {  	[sflag:s8] =	ssyncadd.s32 $0xFFFF8000  }
0x140: {  	_ =	swait.ge [sflag:s5], $0x8000  }
0x141: {  	[sflag:s5] =	ssyncset.done $0x0  }
0x142: {  	[sflag:s5] =	ssyncadd.s32 $0xFFFF8000  }
0x143: {  	[tilespmem:s10], [sflag:$0x1] =	stream.indirect.gather [hbm4b:s2+s9], $0x80, s16, s9, $0xb8;
	[tilespmem:$0x11200] =	vst v63  }
0x144: {  	s0 =	rddreg [dreg:$0x11]  }
0x145: {  	[hbm4b:s0+s3] =	stream.linear.scatter [tilespmem:s7], [sflag:$0x2], $0x8000, $0x38;
	[tilespmem:$0x11200] =	vst v63  }
0x146: {  	_ =	swait.ge [sflag:s8], $0x8000  }
0x147: {  	[sflag:s8] =	ssyncset.done $0x0  }
0x148: {  	[sflag:s8] =	ssyncadd.s32 $0xFFFF8000  }
0x149: {  	_ =	swait.ge [sflag:s5], $0x8000  }
0x14a: {  	[sflag:s5] =	ssyncset.done $0x0  }
0x14b: {  	[sflag:s5] =	ssyncadd.s32 $0xFFFF8000  }
0x14c: {  	[tilespmem:s7], [sflag:$0x1] =	stream.indirect.gather [hbm4b:s2+s9], $0x80, s15, s9, $0xb8;
	[tilespmem:$0x11200] =	vst v63  }
0x14d: {  	_ = 	snop  }
0x14e: {  	[hbm4b:s12+s3] =	stream.linear.scatter [tilespmem:s10], [sflag:$0x2], $0x8000, $0x38;
	[tilespmem:$0x11200] =	vst v63  }
0x14f: {  	_ =	swait.ge [sflag:s8], $0x8000  }
0x150: {  	[sflag:s8] =	ssyncset.done $0x0  }
0x151: {  	[sflag:s8] =	ssyncadd.s32 $0xFFFF8000  }
0x152: {  	_ =	swait.ge [sflag:s5], $0x8000  }
0x153: {  	[sflag:s5] =	ssyncset.done $0x0  }
0x154: {  	[sflag:s5] =	ssyncadd.s32 $0xFFFF8000  }
0x155: {  	[tilespmem:s10], [sflag:$0x1] =	stream.indirect.gather [hbm4b:s2+s9], $0x80, s14, s9, $0xb8;
	[tilespmem:$0x11200] =	vst v63  }
0x156: {  	_ = 	snop  }
0x157: {  	[hbm4b:s11+s3] =	stream.linear.scatter [tilespmem:s7], [sflag:$0x2], $0x8000, $0x38;
	[tilespmem:$0x11200] =	vst v63  }
0x158: {  	_ =	swait.ge [sflag:s8], $0x8000  }
0x159: {  	[sflag:s8] =	ssyncset.done $0x0  }
0x15a: {  	[sflag:s8] =	ssyncadd.s32 $0xFFFF8000  }
0x15b: {  	_ =	swait.ge [sflag:s5], $0x8000  }
0x15c: {  	[sflag:s5] =	ssyncset.done $0x0  }
0x15d: {  	[sflag:s5] =	ssyncadd.s32 $0xFFFF8000  }
0x15e: {  	[tilespmem:s7], [sflag:$0x1] =	stream.indirect.gather [hbm4b:s2+s9], $0x80, s13, s9, $0xb8;
	[tilespmem:$0x11200] =	vst v63  }
0x15f: {  	_ = 	snop  }
0x160: {  	[hbm4b:s6+s3] =	stream.linear.scatter [tilespmem:s10], [sflag:$0x2], $0x8000, $0x38;
	[tilespmem:$0x11200] =	vst v63  }
0x161: {  	_ =	swait.ge [sflag:s8], $0x8000  }
0x162: {  	[sflag:s8] =	ssyncset.done $0x0  }
0x163: {  	[sflag:s8] =	ssyncadd.s32 $0xFFFF8000  }
0x164: {  	p1 =	sne.s32 s1, $0x1;
	_ =	swait.ge [sflag:s5], $0x8000  }
.Ltmp2:
0x165: {  	[sflag:s5] =	ssyncset.done $0x0;
	(pc) =	sbr.rel @p1 .LBB2_2-.Ltmp2, $4  }
0x166: {  	[sflag:s5] =	ssyncadd.s32 $0xFFFF8000  }
0x167: {  	[hbm4b:s4+s3] =	stream.linear.scatter [tilespmem:s7], [sflag:$0x2], $0x8000, $0x38;
	[tilespmem:$0x11200] =	vst v63  }
0x168: {  	_ =	swait.ge [sflag:s5], $0x8000  }
0x169: {  	s1 =	sadd.s32 $0xFFFFFFFF, s1;
	s0 =	rddreg [dreg:$0x4];
	[sflag:s5] =	ssyncset.done $0x0  }
.LBB2_3:
0x16a: {  	[sflag:s5] =	ssyncadd.s32 @p0 $0xFFFF8000  }
0x16b: {  	[tilespmem:s3], [sflag:$0x3] =	stream.linear.gather [hbm4b:s0+s3], $0x1200, $0x38;
	[tilespmem:$0x11200] =	vst v63  }
0x16c: {  	_ =	swait.ge [sflag:s31], $0x1200  }
0x16d: {  	[sflag:s31] =	ssyncset.done $0x0  }
0x16e: {  	[sflag:s31] =	ssyncadd.s32 $0xFFFFEE00  }
0x16f: {  	[tilespmem:s10], [sflag:$0x1] =	stream.indirect.gather [hbm4b:s2+s9], $0x80, s3, s9, $0xb8;
	[tilespmem:$0x11200] =	vst v63  }
0x170: {  	_ =	swait.ge [sflag:s8], $0x8000  }
0x171: {  	[sflag:s8] =	ssyncset.done $0x0  }
0x172: {  	[sflag:s8] =	ssyncadd.s32 $0xFFFF8000  }
0x173: {  	[tilespmem:s7], [sflag:$0x1] =	stream.indirect.gather [hbm4b:s2+s9], $0x80, s9, s9, $0xb8;
	[tilespmem:$0x11200] =	vst v63  }
0x174: {  	_ = 	snop  }
0x175: {  	[hbm4b:s24+s3] =	stream.linear.scatter [tilespmem:s10], [sflag:$0x2], $0x8000, $0x38;
	[tilespmem:$0x11200] =	vst v63  }
0x176: {  	_ =	swait.ge [sflag:s8], $0x8000  }
0x177: {  	[sflag:s8] =	ssyncset.done $0x0  }
0x178: {  	[sflag:s8] =	ssyncadd.s32 $0xFFFF8000  }
0x179: {  	_ =	swait.ge [sflag:s5], $0x8000  }
0x17a: {  	[sflag:s5] =	ssyncset.done $0x0  }
0x17b: {  	[sflag:s5] =	ssyncadd.s32 $0xFFFF8000  }
0x17c: {  	[tilespmem:s10], [sflag:$0x1] =	stream.indirect.gather [hbm4b:s2+s9], $0x80, s30, s9, $0xb8;
	[tilespmem:$0x11200] =	vst v63  }
0x17d: {  	s1 =	rddreg [dreg:$0x5]  }
0x17e: {  	[hbm4b:s1+s3] =	stream.linear.scatter [tilespmem:s7], [sflag:$0x2], $0x8000, $0x38;
	[tilespmem:$0x11200] =	vst v63  }
0x17f: {  	_ =	swait.ge [sflag:s8], $0x8000  }
0x180: {  	[sflag:s8] =	ssyncset.done $0x0  }
0x181: {  	[sflag:s8] =	ssyncadd.s32 $0xFFFF8000  }
0x182: {  	_ =	swait.ge [sflag:s5], $0x8000  }
0x183: {  	[sflag:s5] =	ssyncset.done $0x0  }
0x184: {  	[sflag:s5] =	ssyncadd.s32 $0xFFFF8000  }
0x185: {  	[tilespmem:s7], [sflag:$0x1] =	stream.indirect.gather [hbm4b:s2+s9], $0x80, s29, s9, $0xb8;
	[tilespmem:$0x11200] =	vst v63  }
0x186: {  	s24 =	rddreg [dreg:$0x6]  }
0x187: {  	[hbm4b:s24+s3] =	stream.linear.scatter [tilespmem:s10], [sflag:$0x2], $0x8000, $0x38;
	[tilespmem:$0x11200] =	vst v63  }
0x188: {  	_ =	swait.ge [sflag:s8], $0x8000  }
0x189: {  	[sflag:s8] =	ssyncset.done $0x0  }
0x18a: {  	[sflag:s8] =	ssyncadd.s32 $0xFFFF8000  }
0x18b: {  	_ =	swait.ge [sflag:s5], $0x8000  }
0x18c: {  	[sflag:s5] =	ssyncset.done $0x0  }
0x18d: {  	[sflag:s5] =	ssyncadd.s32 $0xFFFF8000  }
0x18e: {  	[tilespmem:s10], [sflag:$0x1] =	stream.indirect.gather [hbm4b:s2+s9], $0x80, s28, s9, $0xb8;
	[tilespmem:$0x11200] =	vst v63  }
0x18f: {  	s29 =	rddreg [dreg:$0x7]  }
0x190: {  	[hbm4b:s29+s3] =	stream.linear.scatter [tilespmem:s7], [sflag:$0x2], $0x8000, $0x38;
	[tilespmem:$0x11200] =	vst v63  }
0x191: {  	_ =	swait.ge [sflag:s8], $0x8000  }
0x192: {  	[sflag:s8] =	ssyncset.done $0x0  }
0x193: {  	[sflag:s8] =	ssyncadd.s32 $0xFFFF8000  }
0x194: {  	_ =	swait.ge [sflag:s5], $0x8000  }
0x195: {  	[sflag:s5] =	ssyncset.done $0x0  }
0x196: {  	[sflag:s5] =	ssyncadd.s32 $0xFFFF8000  }
0x197: {  	[tilespmem:s7], [sflag:$0x1] =	stream.indirect.gather [hbm4b:s2+s9], $0x80, s26, s9, $0xb8;
	[tilespmem:$0x11200] =	vst v63  }
0x198: {  	s30 =	rddreg [dreg:$0x8]  }
0x199: {  	[hbm4b:s30+s3] =	stream.linear.scatter [tilespmem:s10], [sflag:$0x2], $0x8000, $0x38;
	[tilespmem:$0x11200] =	vst v63  }
0x19a: {  	_ =	swait.ge [sflag:s8], $0x8000  }
0x19b: {  	[sflag:s8] =	ssyncset.done $0x0  }
0x19c: {  	[sflag:s8] =	ssyncadd.s32 $0xFFFF8000  }
0x19d: {  	_ =	swait.ge [sflag:s5], $0x8000  }
0x19e: {  	[sflag:s5] =	ssyncset.done $0x0  }
0x19f: {  	[sflag:s5] =	ssyncadd.s32 $0xFFFF8000  }
0x1a0: {  	[tilespmem:s10], [sflag:$0x1] =	stream.indirect.gather [hbm4b:s2+s9], $0x80, s25, s9, $0xb8;
	[tilespmem:$0x11200] =	vst v63  }
0x1a1: {  	s31 =	rddreg [dreg:$0x9]  }
0x1a2: {  	[hbm4b:s31+s3] =	stream.linear.scatter [tilespmem:s7], [sflag:$0x2], $0x8000, $0x38;
	[tilespmem:$0x11200] =	vst v63  }
0x1a3: {  	_ =	swait.ge [sflag:s8], $0x8000  }
0x1a4: {  	[sflag:s8] =	ssyncset.done $0x0  }
0x1a5: {  	[sflag:s8] =	ssyncadd.s32 $0xFFFF8000  }
0x1a6: {  	_ =	swait.ge [sflag:s5], $0x8000  }
0x1a7: {  	[sflag:s5] =	ssyncset.done $0x0  }
0x1a8: {  	[sflag:s5] =	ssyncadd.s32 $0xFFFF8000  }
0x1a9: {  	[tilespmem:s7], [sflag:$0x1] =	stream.indirect.gather [hbm4b:s2+s9], $0x80, s23, s9, $0xb8;
	[tilespmem:$0x11200] =	vst v63  }
0x1aa: {  	s1 =	rddreg [dreg:$0xa]  }
0x1ab: {  	[hbm4b:s1+s3] =	stream.linear.scatter [tilespmem:s10], [sflag:$0x2], $0x8000, $0x38;
	[tilespmem:$0x11200] =	vst v63  }
0x1ac: {  	_ =	swait.ge [sflag:s8], $0x8000  }
0x1ad: {  	[sflag:s8] =	ssyncset.done $0x0  }
0x1ae: {  	[sflag:s8] =	ssyncadd.s32 $0xFFFF8000  }
0x1af: {  	_ =	swait.ge [sflag:s5], $0x8000  }
0x1b0: {  	[sflag:s5] =	ssyncset.done $0x0  }
0x1b1: {  	[sflag:s5] =	ssyncadd.s32 $0xFFFF8000  }
0x1b2: {  	[tilespmem:s10], [sflag:$0x1] =	stream.indirect.gather [hbm4b:s2+s9], $0x80, s22, s9, $0xb8;
	[tilespmem:$0x11200] =	vst v63  }
0x1b3: {  	s23 =	rddreg [dreg:$0xb]  }
0x1b4: {  	[hbm4b:s23+s3] =	stream.linear.scatter [tilespmem:s7], [sflag:$0x2], $0x8000, $0x38;
	[tilespmem:$0x11200] =	vst v63  }
0x1b5: {  	_ =	swait.ge [sflag:s8], $0x8000  }
0x1b6: {  	[sflag:s8] =	ssyncset.done $0x0  }
0x1b7: {  	[sflag:s8] =	ssyncadd.s32 $0xFFFF8000  }
0x1b8: {  	_ =	swait.ge [sflag:s5], $0x8000  }
0x1b9: {  	[sflag:s5] =	ssyncset.done $0x0  }
0x1ba: {  	[sflag:s5] =	ssyncadd.s32 $0xFFFF8000  }
0x1bb: {  	[tilespmem:s7], [sflag:$0x1] =	stream.indirect.gather [hbm4b:s2+s9], $0x80, s21, s9, $0xb8;
	[tilespmem:$0x11200] =	vst v63  }
0x1bc: {  	s24 =	rddreg [dreg:$0xc]  }
0x1bd: {  	[hbm4b:s24+s3] =	stream.linear.scatter [tilespmem:s10], [sflag:$0x2], $0x8000, $0x38;
	[tilespmem:$0x11200] =	vst v63  }
0x1be: {  	_ =	swait.ge [sflag:s8], $0x8000  }
0x1bf: {  	[sflag:s8] =	ssyncset.done $0x0  }
0x1c0: {  	[sflag:s8] =	ssyncadd.s32 $0xFFFF8000  }
0x1c1: {  	_ =	swait.ge [sflag:s5], $0x8000  }
0x1c2: {  	[sflag:s5] =	ssyncset.done $0x0  }
0x1c3: {  	[sflag:s5] =	ssyncadd.s32 $0xFFFF8000  }
0x1c4: {  	[tilespmem:s10], [sflag:$0x1] =	stream.indirect.gather [hbm4b:s2+s9], $0x80, s20, s9, $0xb8;
	[tilespmem:$0x11200] =	vst v63  }
0x1c5: {  	s25 =	rddreg [dreg:$0xd]  }
0x1c6: {  	[hbm4b:s25+s3] =	stream.linear.scatter [tilespmem:s7], [sflag:$0x2], $0x8000, $0x38;
	[tilespmem:$0x11200] =	vst v63  }
0x1c7: {  	_ =	swait.ge [sflag:s8], $0x8000  }
0x1c8: {  	[sflag:s8] =	ssyncset.done $0x0  }
0x1c9: {  	[sflag:s8] =	ssyncadd.s32 $0xFFFF8000  }
0x1ca: {  	_ =	swait.ge [sflag:s5], $0x8000  }
0x1cb: {  	[sflag:s5] =	ssyncset.done $0x0  }
0x1cc: {  	[sflag:s5] =	ssyncadd.s32 $0xFFFF8000  }
0x1cd: {  	[tilespmem:s7], [sflag:$0x1] =	stream.indirect.gather [hbm4b:s2+s9], $0x80, s19, s9, $0xb8;
	[tilespmem:$0x11200] =	vst v63  }
0x1ce: {  	s26 =	rddreg [dreg:$0xe]  }
0x1cf: {  	[hbm4b:s26+s3] =	stream.linear.scatter [tilespmem:s10], [sflag:$0x2], $0x8000, $0x38;
	[tilespmem:$0x11200] =	vst v63  }
0x1d0: {  	_ =	swait.ge [sflag:s8], $0x8000  }
0x1d1: {  	[sflag:s8] =	ssyncset.done $0x0  }
0x1d2: {  	[sflag:s8] =	ssyncadd.s32 $0xFFFF8000  }
0x1d3: {  	_ =	swait.ge [sflag:s5], $0x8000  }
0x1d4: {  	[sflag:s5] =	ssyncset.done $0x0  }
0x1d5: {  	[sflag:s5] =	ssyncadd.s32 $0xFFFF8000  }
0x1d6: {  	[tilespmem:s10], [sflag:$0x1] =	stream.indirect.gather [hbm4b:s2+s9], $0x80, s18, s9, $0xb8;
	[tilespmem:$0x11200] =	vst v63  }
0x1d7: {  	s28 =	rddreg [dreg:$0xf]  }
0x1d8: {  	[hbm4b:s28+s3] =	stream.linear.scatter [tilespmem:s7], [sflag:$0x2], $0x8000, $0x38;
	[tilespmem:$0x11200] =	vst v63  }
0x1d9: {  	_ =	swait.ge [sflag:s8], $0x8000  }
0x1da: {  	[sflag:s8] =	ssyncset.done $0x0  }
0x1db: {  	[sflag:s8] =	ssyncadd.s32 $0xFFFF8000  }
0x1dc: {  	_ =	swait.ge [sflag:s5], $0x8000  }
0x1dd: {  	[sflag:s5] =	ssyncset.done $0x0  }
0x1de: {  	[sflag:s5] =	ssyncadd.s32 $0xFFFF8000  }
0x1df: {  	[tilespmem:s7], [sflag:$0x1] =	stream.indirect.gather [hbm4b:s2+s9], $0x80, s17, s9, $0xb8;
	[tilespmem:$0x11200] =	vst v63  }
0x1e0: {  	s29 =	rddreg [dreg:$0x10]  }
0x1e1: {  	[hbm4b:s29+s3] =	stream.linear.scatter [tilespmem:s10], [sflag:$0x2], $0x8000, $0x38;
	[tilespmem:$0x11200] =	vst v63  }
0x1e2: {  	_ =	swait.ge [sflag:s8], $0x8000  }
0x1e3: {  	[sflag:s8] =	ssyncset.done $0x0  }
0x1e4: {  	[sflag:s8] =	ssyncadd.s32 $0xFFFF8000  }
0x1e5: {  	_ =	swait.ge [sflag:s5], $0x8000  }
0x1e6: {  	[sflag:s5] =	ssyncset.done $0x0  }
0x1e7: {  	[sflag:s5] =	ssyncadd.s32 $0xFFFF8000  }
0x1e8: {  	[tilespmem:s10], [sflag:$0x1] =	stream.indirect.gather [hbm4b:s2+s9], $0x80, s16, s9, $0xb8;
	[tilespmem:$0x11200] =	vst v63  }
0x1e9: {  	s30 =	rddreg [dreg:$0x11]  }
0x1ea: {  	[hbm4b:s30+s3] =	stream.linear.scatter [tilespmem:s7], [sflag:$0x2], $0x8000, $0x38;
	[tilespmem:$0x11200] =	vst v63  }
0x1eb: {  	_ =	swait.ge [sflag:s8], $0x8000  }
0x1ec: {  	[sflag:s8] =	ssyncset.done $0x0  }
0x1ed: {  	[sflag:s8] =	ssyncadd.s32 $0xFFFF8000  }
0x1ee: {  	_ =	swait.ge [sflag:s5], $0x8000  }
0x1ef: {  	[sflag:s5] =	ssyncset.done $0x0  }
0x1f0: {  	[sflag:s5] =	ssyncadd.s32 $0xFFFF8000  }
0x1f1: {  	[tilespmem:s7], [sflag:$0x1] =	stream.indirect.gather [hbm4b:s2+s9], $0x80, s15, s9, $0xb8;
	[tilespmem:$0x11200] =	vst v63  }
0x1f2: {  	_ = 	snop  }
0x1f3: {  	[hbm4b:s12+s3] =	stream.linear.scatter [tilespmem:s10], [sflag:$0x2], $0x8000, $0x38;
	[tilespmem:$0x11200] =	vst v63  }
0x1f4: {  	_ =	swait.ge [sflag:s8], $0x8000  }
0x1f5: {  	[sflag:s8] =	ssyncset.done $0x0  }
0x1f6: {  	[sflag:s8] =	ssyncadd.s32 $0xFFFF8000  }
0x1f7: {  	_ =	swait.ge [sflag:s5], $0x8000  }
0x1f8: {  	[sflag:s5] =	ssyncset.done $0x0  }
0x1f9: {  	[sflag:s5] =	ssyncadd.s32 $0xFFFF8000  }
0x1fa: {  	[tilespmem:s10], [sflag:$0x1] =	stream.indirect.gather [hbm4b:s2+s9], $0x80, s14, s9, $0xb8;
	[tilespmem:$0x11200] =	vst v63  }
0x1fb: {  	_ = 	snop  }
0x1fc: {  	[hbm4b:s11+s3] =	stream.linear.scatter [tilespmem:s7], [sflag:$0x2], $0x8000, $0x38;
	[tilespmem:$0x11200] =	vst v63  }
0x1fd: {  	_ =	swait.ge [sflag:s8], $0x8000  }
0x1fe: {  	[sflag:s8] =	ssyncset.done $0x0  }
0x1ff: {  	[sflag:s8] =	ssyncadd.s32 $0xFFFF8000  }
0x200: {  	_ =	swait.ge [sflag:s5], $0x8000  }
0x201: {  	[sflag:s5] =	ssyncset.done $0x0  }
0x202: {  	[sflag:s5] =	ssyncadd.s32 $0xFFFF8000  }
0x203: {  	[tilespmem:s7], [sflag:$0x1] =	stream.indirect.gather [hbm4b:s2+s9], $0x80, s13, s9, $0xb8;
	[tilespmem:$0x11200] =	vst v63  }
0x204: {  	_ = 	snop  }
0x205: {  	[hbm4b:s6+s3] =	stream.linear.scatter [tilespmem:s10], [sflag:$0x2], $0x8000, $0x38;
	[tilespmem:$0x11200] =	vst v63  }
0x206: {  	_ =	swait.ge [sflag:s8], $0x8000  }
0x207: {  	[sflag:s8] =	ssyncset.done $0x0  }
0x208: {  	[sflag:s8] =	ssyncadd.s32 $0xFFFF8000  }
0x209: {  	_ =	swait.ge [sflag:s5], $0x8000  }
0x20a: {  	[sflag:s5] =	ssyncset.done $0x0  }
0x20b: {  	[sflag:s5] =	ssyncadd.s32 $0xFFFF8000  }
0x20c: {  	[hbm4b:s4+s3] =	stream.linear.scatter [tilespmem:s7], [sflag:$0x2], $0x8000, $0x38;
	[tilespmem:$0x11200] =	vst v63  }
0x20d: {  	_ =	swait.ge [sflag:s5], $0x8000  }
0x20e: {  	[sflag:s5] =	ssyncset.done $0x0  }
0x20f: {  	[sflag:s5] =	ssyncadd.s32 $0xFFFF8000  }
0x210: {  	_ =	sfence.sel $0x180000  }
0x211: {  	[bflag:$0x0] =	sbarrier.arrive $0xFFFF  }
0x212: {  	_ =	strace $0x90000047  }
0x213: {  	s31 =	stileid.u32;
	[bflag:$0x2] =	sbarrier.arrive $0xFFFF  }
0x214: {  	p0 =	sne.s32 s31, $0x0;
	s0 =	rddreg [dreg:$0x3]  }
0x215: {  	s0 =	sadd.s32 @!p0 $0x100000, s0  }
0x216: {  	[sflag:s0] =	ssyncadd.tile.s32 @!p0 $0x1;
	_ =	shalt  }
.Lfunc_end2:
_tile_overlayer_lowered:
.L_overlay_start_2:
0x217: {  	(tag) =	ssettag $0x2  }
0x218: {  	s0 =	rddreg [dreg:$0x0];
	s2 =	stileid.u32  }
0x219: {  	s1 =	rddreg [dreg:$0x1];
	p0 =	sne.s32 s2, $0x0  }
0x21a: {  	s3 =	rddreg [dreg:$0x2];
	[bflag:$0x3] =	sbarrier.arrive $0xFFFF;
	s2 =	simm.s32 @!p0 $0x1C03  }
0x21b: {  	[timem:s3], [sflag:s2] =	dma.local @!p0 [hbm:s0], s1  }
0x21c: {  	s0 =	simm.s32 @!p0 $0x3  }
0x21d: {  	_ =	swait.ge @!p0 [sflag:s0], s1  }
0x21e: {  	s1 =	ssub.s32 @!p0 $0x0, s1;
	[sflag:s0] =	ssyncset.done @!p0 $0x0  }
0x21f: {  	[sflag:s0] =	ssyncadd.s32 @!p0 s1  }
0x220: {  	[bflag:$0x3] =	sbarrier.arrive $0xFFFF  }
0x221: {  	_ =	shalt  }

// kernel: sparse-core-data-format-call.cloned.1.call-start
scs
called_computation_lowered:
.L_overlay_start_0:
0x0: {  	s2 =	sld [smem:$0x3FD9]  }
0x1: {  	s3 =	sld [smem:$0x3FFE];
	_ =	sdelay $0x1  }
0x2: {  	s1 =	srdreg.scid  }
0x3: {  	s0 =	sand.u32 $0x1, s1  }
0x4: {  	s15 =	sshll.u32 s0, $0xA;
	s2 =	sadd.s32 s3, s2  }
0x5: {  	s2 =	sadd.s32 s2, s15  }
0x6: {  	[smem:$0x3FC6] =	sst s2  }
0x7: {  	_ = 	snop  }
0x8: {  	s2 =	sld [smem:$0x3FD0];
	_ =	sdelay $0x2  }
0x9: {  	s16 =	simm.s32 $0xA;
	s4 =	simm.s32 $0x10  }
0xa: {  	[smem:s4], [sflag:s16] =	dma.local [hbm:s2], $0x1  }
0xb: {  	_ =	swait.eq [sflag:s16], $0x1  }
0xc: {  	[sflag:s16] =	ssyncset.done $0x0  }
0xd: {  	[sflag:s16] =	ssyncadd.s32 $0xFFFFFFFF  }
0xe: {  	s17 =	sld [smem:$0x10];
	(tm) =	ssettm $0x1  }
0xf: {  	s18 =	sld [smem:$0x3FFB];
	_ =	sdelay $0x3  }
0x10: {  	_ =	strace s18  }
0x11: {  	s3 =	sld [smem:$0x3FFC];
	_ =	sdelay $0x3  }
0x12: {  	_ =	strace s3  }
0x13: {  	s3 =	sld [smem:$0x3FFD];
	_ =	sdelay $0x3  }
0x14: {  	_ =	strace s3  }
0x15: {  	_ =	strace $0x8FFFFFFF  }
0x16: {  	s19 =	sld [smem:$0x3FDB];
	_ =	sdelay $0x1  }
0x17: {  	s20 =	simm.s32 $_scs_section_size  }
0x18: {  	s5 =	simm.s32 $_size__tile_overlayer_lowered;
	s6 =	simm.s32 $_tile_overlayer_lowered  }
0x19: {  	s23 =	simm.s32 $0x1BFF;
	s22 =	sshll.u32 s6, $0x1;
	s3 =	sadd.s32 s20, s19  }
0x1a: {  	s7 =	simm.s32 $0x0;
	s21 =	sshll.u32 s5, $0x1;
	s5 =	sadd.s32 s22, s3  }
0x1b: {  	[timem:s7], [sflag:s23] =	dma.local [hbm:s5], s21  }
0x1c: {  	_ =	swait.ge [sflag:s23], s21  }
0x1d: {  	s4 =	ssub.s32 $0x0, s21;
	[sflag:s23] =	ssyncset.done $0x0  }
0x1e: {  	[sflag:s23] =	ssyncadd.s32 s4;
	_ =	sdelay $0x1  }
0x1f: {  	s24 =	simm.s32 $0x1B8B  }
0x20: {  	_ =	swait.ge [sflag:s24], $0x1  }
0x21: {  	[sflag:s24] =	ssyncset.done $0x0  }
0x22: {  	s26 =	simm.s32 $0x1B8E;
	s25 =	sld [smem:$0x3FFE];
	[sflag:s24] =	ssyncadd.s32 $0xFFFFFFFF  }
0x23: {  	s27 =	simm.s32 $execute0_lowered;
	[smem:$0x3FD2] =	sst s26  }
0x24: {  	s5 =	sshll.u32 s27, $0x1;
	_ =	strace $0x80000049;
	[dreg:$0x1] =	wrdreg $0xFFFFFFFF  }
0x25: {  	s28 =	simm.s32 $_size_execute0_lowered;
	s3 =	sadd.s32 s3, s5;
	[dreg:$0x0] =	wrdreg $0x0  }
0x26: {  	s5 =	sshll.u32 s28, $0x1;
	[dreg:$0x2] =	wrdreg s3  }
0x27: {  	[dreg:$0x3] =	wrdreg s5  }
0x28: {  	[dreg:$0x4] =	wrdreg $0xC0  }
0x29: {  	_ =	task [dreg:s7], $0x5FFFF  }
0x2a: {  	[dreg:$0x1] =	wrdreg $0xFFFFFFFF  }
0x2b: {  	[dreg:$0x0] =	wrdreg $0x60  }
0x2c: {  	[dreg:$0x2] =	wrdreg s25  }
0x2d: {  	[dreg:$0x3] =	wrdreg s17  }
0x2e: {  	[dreg:$0x4] =	wrdreg $0x9  }
0x2f: {  	_ =	task.clear_ibuf [dreg:s7], $0x5FFFF;
	_ =	strace $0x90000049  }
0x30: {  	s29 =	simm.s32 $0x9;
	_ =	strace $0x8000004B  }
0x31: {  	_ =	swait.ge [sflag:s29], $0x1  }
0x32: {  	[sflag:s29] =	ssyncadd.s32 $0xFFFFFFFF  }
0x33: {  	_ =	strace $0x9000004B  }
0x34: {  	_ =	sfence  }
0x35: {  	s30 =	sld [smem:$0x0];
	_ =	sdelay $0x2  }
0x36: {  	s31 =	sshll.u32 s1, $0xD;
	s1 =	sshrl.u32 s1, $0x2  }
0x37: {  	s3 =	sand.u32 $0x4000, s31;
	s1 =	sadd.s32 s1, s30  }
0x38: {  	s0 =	sor.u32 s3, s0;
	s1 =	sshll.u32 s1, $0x11  }
0x39: {  	s0 =	sor.u32 s1, s0  }
0x3a: {  	s0 =	sadd.s32 $0x8F2B, s0  }
0x3b: {  	[sflag:s0] =	ssyncadd.remote.s32 $0x1  }
0x3c: {  	_ =	sfence.sel $0xFFFF  }
0x3d: {  	[dreg:$0x0] =	wrdreg $0xFFFFFFFF;
	(pc) =	sbr.abs _section_cstart, $3  }
0x3e: {  	[dreg:$0x1] =	wrdreg $0xFFFFFFFF  }
0x3f: {  	_ =	task.clear_ibuf [dreg:s7], $0x2FFFF;
	_ =	strace $0x9FFFFFFF  }
0x40: {  	(tm) =	ssettm $0x7FFFFFFF  }
0x41: {  	_ =	shalt  }
tec
execute0_lowered:
.L_overlay_start_1:
0x0: {  	(tag) =	ssettag $0x1  }
0x1: {  	s0 =	stileid.u32;
	s6 =	rddreg [dreg:$0x0]  }
0x2: {  	s2 =	rddreg [dreg:$0x1];
	s4 =	srdreg.scid;
	s9 =	simm.s32 $0x2  }
0x3: {  	s13 =	simm.s32 $0x0;
	p0 =	por $0x0, $0x0;
	s1 =	sshll.u32 s0, $0x7  }
0x4: {  	s14 =	simm.s32 $0x0;
	s12 =	simm.s32 $0x0;
	s3 =	sand.u32 $0x80, s1  }
0x5: {  	s4 =	sshll.u32 s4, $0x4;
	s1 =	rddreg [dreg:$0x2];
	s5 =	ssub.s32 $0x100, s3  }
0x6: {  	_ =	strace $0x8000004A;
	s4 =	sand.u32 $0x10, s4;
	s7 =	sshrl.u32 s5, $0x7  }
.Ltmp0:
0x7: {  	s5 =	sshrl.u32 s5, $0x8;
	s7 =	sand.u32 $0x1, s7;
	(pc) =	sbr.rel .LBB1_1-.Ltmp0, $4  }
0x8: {  	s8 =	sor.u32 s0, s4;
	s4 =	simm.s32 $0x1;
	s5 =	sadd.s32 s5, s7  }
0x9: {  	s6 =	sadd.s32 $0xC00, s6;
	[sflag:s4] =	ssyncpa.u1 $0x0;
	s5 =	smul.u32 $0x24, s5  }
0xa: {  	s11 =	smov.u32 s3;
	[sflag:s9] =	ssyncpa.u1 $0x0;
	s7 =	sshrl.u32 s8, $0x1  }
0xb: {  	s9 =	simm.s32 $0x800;
	s10 =	smov.u32 s7;
	s8 =	sor.u32 $0x1, s5  }
.LBB1_4:
0xc: {  	s17 =	sand.u32 $0x780, s14;
	s13 =	sshll.u32 s13, $0xB  }
0xd: {  	[tilespmem:s16+$0x810 ss:$0x81] =	vst.msk $0xffff, v2;
	s18 =	sshrl.u32 s14, $0x3;
	s31 =	sand.u32 $0x7, s14;
	s17 =	sadd.s32 s2, s17  }
0xe: {  	[tilespmem:s16+$0x1020 ss:$0x81] =	vst.msk $0xffff, v0;
	s18 =	sand.u32 $0xF, s18;
	s14 =	sshll.u32 s31, $0x12;
	s13 =	sadd.s32 s13, s17  }
0xf: {  	[tilespmem:s16+$0x0 ss:$0x81] =	vst.msk $0xffff, v1;
	s14 =	sor.u32 $0x400, s14;
	s13 =	sadd.s32 s18, s13  }
0x10: {  	[hbm4b:s13+s14] =	stream.strided.scatter [tilespmem:s15], [sflag:$0x2], $0x2000, s9, s14, $0x20;
	[tilespmem:$0x8080] =	vst v63  }
.LBB1_5:
0x11: {  	s15 =	sadd.s32 $0x10, s10  }
0x12: {  	s13 =	sadd.s32 $0x100, s11;
	s17 =	smov.u32 s11;
	p2 =	sgt.s32 s15, $0x23F  }
0x13: {  	s17 =	smov.u32 @p2 s13  }
0x14: {  	s15 =	smov.u32 @p2 s7;
	p2 =	sgt.s32 s17, $0xFF  }
0x15: {  	s17 =	smov.u32 @p2 s3;
	p2 =	sne.s32 s12, s8  }
.Ltmp1:
0x16: {  	p1 =	slt.u32 s12, $0x2;
	(pc) =	sbr.rel @!p2 .LBB1_6-.Ltmp1, $4  }
0x17: {  	s16 =	simm.s32 @!p1 $0x2  }
0x18: {  	s14 =	smov.u32 s11;
	p0 =	por !p0, !p0;
	_ =	swait.ge @!p1 [sflag:s16], $0x2000  }
0x19: {  	s13 =	smov.u32 s10;
	[sflag:s16] =	ssyncset.done @!p1 $0x0;
	s10 =	smov.u32 s15  }
0x1a: {  	s12 =	sadd.s32 $0x1, s12;
	[sflag:s16] =	ssyncadd.s32 @!p1 $0xFFFFE000;
	s11 =	smov.u32 s17  }
.LBB1_1:
0x1b: {  	p1 =	sge.u32 s12, s5  }
0x1c: {  	s15 =	sand.u32 @!p1 $0x1FFFFFF, s10  }
0x1d: {  	s16 =	smulhi.u32 @!p1 $0xE38E39, s15;
	_ =	sdelay $0x1  }
0x1e: {  	s16 =	sshrl.u32 @!p1 s16, $0x1  }
0x1f: {  	s16 =	smul.u32 @!p1 $0x240, s16  }
0x20: {  	s17 =	sxor.u32 @!p1 $0xFFFFFFFF, s12;
	s18 =	smul.u32 @!p1 $0x2400, s11  }
0x21: {  	s31 =	sadd.s32 $0xFFFFFFFF, s12;
	s17 =	sshll.u32 @!p1 s17, $0xD;
	s15 =	ssub.s32 @!p1 s15, s16  }
0x22: {  	s16 =	sand.u32 @!p1 $0x2000, s17;
	s17 =	sadd.s32 @!p1 s6, s18;
	s15 =	sshll.u32 @!p1 s15, $0x4  }
0x23: {  	s18 =	simm.s32 @!p1 $0x12000;
	s15 =	sadd.s32 @!p1 s15, s17;
	s17 =	simm.s32 @!p1 $0x40  }
0x24: {  	[tilespmem:s16], [sflag:$0x1] =	stream.strided.gather @!p1 [hbm4b:s15+s17], $0x2000, s18, s17, $0x38;
	[tilespmem:$0x8080] =	vst v63  }
0x25: {  	p1 =	sge.u32 s31, s5  }
.Ltmp2:
0x26: {  	_ = 	snop;
	(pc) =	sbr.rel @p1 .LBB1_5-.Ltmp2, $1  }
0x27: {  	_ =	sdelay $0x3  }
0x28: {  	s15 =	simm.s32 $0x1  }
0x29: {  	_ =	swait.ge [sflag:s4], $0x2000;
	s15 =	simm.s32 @!p0 $0x0  }
0x2a: {  	[sflag:s4] =	ssyncset.done $0x0;
	s16 =	sshll.u32 s15, $0xD  }
0x2b: {  	[sflag:s4] =	ssyncadd.s32 $0xFFFFE000;
	s19 =	sor.u32 $0x20, s16  }
0x2c: {  	s15 =	smul.u32 $0x8100, s15;
	v3 =	vld [tilespmem:s19+$0x10]  }
0x2d: {  	s30 =	sand.u32 $0x1, s12;
	v2 =	vld [tilespmem:s19+$0xFFFFFFF0]  }
0x2e: {  	s16 =	smul.u32 $0x8100, s30;
	s15 =	sshrl.u32 s15, $0x2;
	v0 =	vld [tilespmem:s19+$0x0]  }
0x2f: {  	v1 =	vld [tilespmem:s19+$0xFFFFFFE0];
	s17 =	sor.u32 $0x4000, s15  }
0x30: {  	s31 =	sshrl.u32 s16, $0x2;
	s16 =	sadd.s32 $0x0, s17  }
0x31: {  	s18 =	simm.s32 $0x4;
	s19 =	sadd.s32 $0x40, s19;
	s15 =	sor.u32 $0x4000, s31;
	[tilespmem:s16+$0x1830 ss:$0x81] =	vst.msk $0xffff, v3  }
.LBB1_3:
0x32: {  	v3 =	vld [tilespmem:s19+$0x10];
	p1 =	sne.s32 s18, $0x1FC;
	[tilespmem:s16+$0x810 ss:$0x81] =	vst.msk $0xffff, v2;
	s20 =	smov.u32 s18;
	s18 =	sadd.s32 $0x4, s18  }
.Ltmp3:
0x33: {  	v2 =	vld [tilespmem:s19+$0xFFFFFFF0];
	[tilespmem:s16+$0x1020 ss:$0x81] =	vst.msk $0xffff, v0;
	(pc) =	sbr.rel @p1 .LBB1_3-.Ltmp3, $4  }
0x34: {  	v0 =	vld [tilespmem:s19+$0x0];
	[tilespmem:s16+$0x0 ss:$0x81] =	vst.msk $0xffff, v1  }
0x35: {  	s16 =	sshra.s32 s20, $0x2;
	v1 =	vld [tilespmem:s19+$0xFFFFFFE0]  }
0x36: {  	s16 =	sadd.s32 s16, s17  }
0x37: {  	s19 =	sadd.s32 $0x40, s19;
	[tilespmem:s16+$0x1830 ss:$0x81] =	vst.msk $0xffff, v3  }
.Ltmp4:
0x38: {  	_ = 	snop;
	(pc) =	sbr.rel .LBB1_4-.Ltmp4, $1  }
0x39: {  	_ =	sdelay $0x3  }
.LBB1_6:
0x3a: {  	_ =	sfence.sel $0x180000  }
0x3b: {  	s2 =	simm.s32 $0x1;
	[bflag:$0x0] =	sbarrier.arrive $0xFFFF  }
0x3c: {  	s31 =	simm.s32 $0x2;
	[sflag:s2] =	ssyncpa.u1 $0x1  }
0x3d: {  	[sflag:s31] =	ssyncpa.u1 $0x1  }
0x3e: {  	p0 =	sne.s32 s0, $0x0;
	_ =	strace $0x9000004A  }
0x3f: {  	s0 =	sadd.s32 @!p0 $0x100000, s1;
	[bflag:$0x2] =	sbarrier.arrive $0xFFFF  }
0x40: {  	[sflag:s0] =	ssyncadd.tile.s32 @!p0 $0x1;
	_ =	shalt  }
.Lfunc_end1:
_tile_overlayer_lowered:
.L_overlay_start_2:
0x41: {  	(tag) =	ssettag $0x2  }
0x42: {  	s0 =	rddreg [dreg:$0x0];
	s2 =	stileid.u32  }
0x43: {  	s1 =	rddreg [dreg:$0x1];
	p0 =	sne.s32 s2, $0x0  }
0x44: {  	s3 =	rddreg [dreg:$0x2];
	[bflag:$0x3] =	sbarrier.arrive $0xFFFF;
	s2 =	simm.s32 @!p0 $0x1C01  }
0x45: {  	[timem:s3], [sflag:s2] =	dma.local @!p0 [hbm:s0], s1  }
0x46: {  	s0 =	simm.s32 @!p0 $0x1  }
0x47: {  	_ =	swait.ge @!p0 [sflag:s0], s1  }
0x48: {  	s1 =	ssub.s32 @!p0 $0x0, s1;
	[sflag:s0] =	ssyncset.done @!p0 $0x0  }
0x49: {  	[sflag:s0] =	ssyncadd.s32 @!p0 s1  }
0x4a: {  	[bflag:$0x3] =	sbarrier.arrive $0xFFFF  }
0x4b: {  	_ =	shalt  }

</sc_bundles>
